<compile_context>
chip_gen: v7x
topology: tpu7x:2x2x1
jax: 0.10.2.dev20260603
libtpu: 0.0.44.dev20260713+nightly
codegen_flags: <defaults>
</compile_context>

<pallas_src>
import functools

import jax
import jax.numpy as jnp
from jax import lax
from jax.experimental import pallas as pl
from jax.experimental.pallas import tpu as pltpu
from jax.experimental.pallas import tpu_sc as plsc

B = 16384
CONT = 13
NCAT = 26
VOCAB = 100000
D = 64

NC = 2
NS = 16
NW = NC * NS
CAT_ROWS = NCAT * D
CONT_ROWS = CONT * D
CAT_PW = CAT_ROWS // NW
CONT_PW = CONT_ROWS // NW
CHUNK = 4096
NCHUNK = B // CHUNK
NSLOT = 2


def _sc_body(xcat_hbm, xcont_hbm, tab_hbm, ctab_hbm, out_hbm,
             row_v, col_v, ring_v, ctab_v, rsem, csem, ssem):
  w = lax.axis_index("s") * NC + lax.axis_index("c")

  def drain_stores():
    pltpu.make_async_copy(
        tab_hbm.at[0, 0, pl.ds(0, NSLOT * CHUNK)], ring_v, ssem).wait()

  def emit_row(j, d, gen_chunk):
    sds = []
    for c in range(NCHUNK):
      slot = c % NSLOT
      if c >= NSLOT:
        sds[c - NSLOT].wait()
      gen_chunk(c, slot)
      sds.append(pltpu.async_copy(
          ring_v.at[pl.ds(slot * CHUNK, CHUNK)],
          out_hbm.at[j, d, pl.ds(c * CHUNK, CHUNK)], ssem))

  def cat_item(k, f_prev):
    u = w * CAT_PW + k
    f = u // D
    d = u % D
    row_copy = pltpu.async_copy(tab_hbm.at[f, d], row_v, rsem)
    @pl.when(k > 0)
    def _():
      drain_stores()
    @pl.when(f != f_prev)
    def _():
      pltpu.sync_copy(xcat_hbm.at[f], col_v)
    row_copy.wait()

    def gen_chunk(c, slot):
      @plsc.parallel_loop(0, CHUNK, step=16, unroll=8)
      def _(off):
        idx = col_v[pl.ds(c * CHUNK + off, 16)]
        ring_v[pl.ds(slot * CHUNK + off, 16)] = plsc.load_gather(
            row_v, [idx])

    emit_row(CONT + f, d, gen_chunk)
    return f

  lax.fori_loop(0, CAT_PW, cat_item, jnp.int32(-1))

  def cont_item(m, c_prev):
    v = w * CONT_PW + m
    cc = v // D
    d = v % D
    drain_stores()
    @pl.when(cc != c_prev)
    def _():
      pltpu.sync_copy(xcont_hbm.at[cc], col_v)
      pltpu.sync_copy(ctab_hbm.at[cc], ctab_v)
    s_vec = plsc.load_gather(ctab_v, [jnp.full((16,), d, dtype=jnp.int32)])

    def gen_chunk(c, slot):
      @plsc.parallel_loop(0, CHUNK, step=16, unroll=8)
      def _(off):
        xv = plsc.bitcast(col_v[pl.ds(c * CHUNK + off, 16)], jnp.float32)
        ring_v[pl.ds(slot * CHUNK + off, 16)] = xv * s_vec

    emit_row(cc, d, gen_chunk)
    return cc

  lax.fori_loop(0, CONT_PW, cont_item, jnp.int32(-1))
  drain_stores()


@jax.jit
def kernel(x_cont, x_cat, cat_tables, cont_table):
  f32 = jnp.float32
  i32 = jnp.int32
  tabT = jnp.transpose(cat_tables, (0, 2, 1))
  xcatT = x_cat.astype(i32).T
  xcontT = lax.bitcast_convert_type(x_cont.T, i32)

  mesh = plsc.VectorSubcoreMesh(core_axis_name="c", subcore_axis_name="s",
                                num_cores=NC, num_subcores=NS)
  out = pl.kernel(
      _sc_body,
      out_type=jax.ShapeDtypeStruct((CONT + NCAT, D, B), f32),
      mesh=mesh,
      compiler_params=pltpu.CompilerParams(
          use_tc_tiling_on_sc=True, needs_layout_passes=False),
      scratch_types=[
          pltpu.VMEM((VOCAB,), f32),
          pltpu.VMEM((B,), i32),
          pltpu.VMEM((NSLOT * CHUNK,), f32),
          pltpu.VMEM((D,), f32),
          pltpu.SemaphoreType.DMA,
          pltpu.SemaphoreType.DMA,
          pltpu.SemaphoreType.DMA,
      ],
  )(xcatT, xcontT, tabT, cont_table)
  return jnp.transpose(out, (2, 0, 1))

# --- scband reference (transcript-rebuilt; emitter-appended) ---
"""Pipeline reference for scband-embedding2d-layer-1675037245858 (READ-ONLY COPY).

The authoritative reference and input builder live on the scoring server;
editing this copy changes nothing except your own understanding.
"""

import jax, jax.numpy as jnp
import numpy as np

B = 16384
CONT_DIM = 13
N_CAT = 26
VOCAB = 100000
EMBED_DIM = 64


def setup_inputs(seed: int = 0) -> dict:
    key = jax.random.key(seed)
    k1, k2, k3, k4 = jax.random.split(key, 4)
    x_cont = jax.random.normal(k1, (B, CONT_DIM), dtype=jnp.float32)
    x_cat = jax.random.randint(k2, (B, N_CAT), 0, VOCAB, dtype=jnp.int64)
    # learned params: per-field categorical tables (stacked, equal cardinality)
    cat_tables = jax.random.normal(k3, (N_CAT, VOCAB, EMBED_DIM), dtype=jnp.float32)
    # continuous 'embedding' table (one row per continuous feature)
    cont_table = jax.random.normal(k4, (CONT_DIM, EMBED_DIM), dtype=jnp.float32)
    return {"x_cont": x_cont, "x_cat": x_cat, "cat_tables": cat_tables, "cont_table": cont_table}


def reference(x_cont, x_cat, cat_tables, cont_table):
    # Continuous branch: cont_idx = arange(CONT_DIM) expanded over batch,
    # cont_embed = x_cont.unsqueeze(2) * cont_embedding(cont_idx)
    cont_embed = x_cont[:, :, None] * cont_table[None, :, :]  # [B, CONT_DIM, D]
    # Categorical branch: per-field embedding lookup, then concat on dim=1
    field_idx = jnp.arange(N_CAT, dtype=jnp.int32)[None, :]  # [1, N_CAT]
    cat_embed = cat_tables[field_idx, x_cat]  # [B, N_CAT, D]
    embed = jnp.concatenate([cont_embed, cat_embed], axis=1)  # [B, CONT_DIM + N_CAT, D]
    return embed

if __name__ == "__main__":
    import jax
    _d = setup_inputs()
    print(jax.jit(kernel)(*tuple(_d.values())))

</pallas_src>

<mosaic_0001>
#map = affine_map<(d0, d1) -> (0, 0)>
#map1 = affine_map<(d0, d1) -> (0, 0, 0)>
module attributes {stable_mosaic.version = 14 : i64} {
  func.func @_sc_body(%arg0: i32, %arg1: i32, %arg2: memref<26x16384xi32, #tpu.memory_space<hbm>>, %arg3: memref<13x16384xi32, #tpu.memory_space<hbm>>, %arg4: memref<26x64x100000xf32, #tpu.memory_space<hbm>>, %arg5: memref<13x64xf32, #tpu.memory_space<hbm>>, %arg6: memref<39x64x16384xf32, #tpu.memory_space<hbm>>, %arg7: memref<100000xf32, #tpu.memory_space<vmem>>, %arg8: memref<16384xi32, #tpu.memory_space<vmem>>, %arg9: memref<8192xf32, #tpu.memory_space<vmem>>, %arg10: memref<64xf32, #tpu.memory_space<vmem>>, %arg11: memref<!tpu.dma_semaphore, #tpu.memory_space<semaphore_mem>>, %arg12: memref<!tpu.dma_semaphore, #tpu.memory_space<semaphore_mem>>, %arg13: memref<!tpu.dma_semaphore, #tpu.memory_space<semaphore_mem>>) attributes {dimension_semantics = [#tpu.dimension_semantics<core_parallel>, #tpu.dimension_semantics<subcore_parallel>], iteration_bounds = array<i64: 2, 16>, scalar_prefetch = 0 : i64, scratch_operands = 7 : i64, tpu.core_type = #tpu.core_type<sc_vector_subcore>, window_params = [{transform_indices = #map}, {transform_indices = #map}, {transform_indices = #map1}, {transform_indices = #map}, {transform_indices = #map1}]} {
    %mul3A = arith.constant 2 : i32
    %mul3A_0 = arith.muli %arg1, %mul3A : i32
    %add3A = arith.addi %mul3A_0, %arg0 : i32
    %scan3A = arith.constant -1 : i32
    %scan3A_1 = arith.constant 0 : i32
    %scan3A_2 = arith.constant 52 : i32
    %scan3A_3 = arith.addi %scan3A_1, %scan3A_2 : i32
    %scan3A_4 = arith.constant 1 : i32
    %scan3A_5 = scf.for %scan3A_21 = %scan3A_1 to %scan3A_3 step %scan3A_4 iter_args(%scan3A_22 = %scan3A) -> (i32)  : i32 {
      %mul3A_23 = arith.constant 52 : i32
      %mul3A_24 = arith.muli %add3A, %mul3A_23 : i32
      %add3A_25 = arith.addi %mul3A_24, %scan3A_21 : i32
      %jit3A = arith.constant 64 : i32
      %div3A = arith.divsi %add3A_25, %jit3A : i32
      %sign3A = arith.constant 0 : i32
      %sign3A_26 = arith.cmpi sgt, %add3A_25, %sign3A : i32
      %sign3A_27 = arith.extui %sign3A_26 : i1 to i32
      %sign3A_28 = arith.constant 0 : i32
      %sign3A_29 = arith.cmpi slt, %add3A_25, %sign3A_28 : i32
      %sign3A_30 = arith.extui %sign3A_29 : i1 to i32
      %sign3A_31 = arith.subi %sign3A_27, %sign3A_30 : i32
      %sign3A_32 = arith.constant 0 : i32
      %sign3A_33 = arith.cmpi sgt, %jit3A, %sign3A_32 : i32
      %sign3A_34 = arith.extui %sign3A_33 : i1 to i32
      %sign3A_35 = arith.constant 0 : i32
      %sign3A_36 = arith.cmpi slt, %jit3A, %sign3A_35 : i32
      %sign3A_37 = arith.extui %sign3A_36 : i1 to i32
      %sign3A_38 = arith.subi %sign3A_34, %sign3A_37 : i32
      %ne3A = arith.cmpi ne, %sign3A_31, %sign3A_38 : i32
      %rem3A = arith.remsi %add3A_25, %jit3A : i32
      %ne3A_39 = arith.constant 0 : i32
      %ne3A_40 = arith.cmpi ne, %rem3A, %ne3A_39 : i32
      %and3A = arith.andi %ne3A, %ne3A_40 : i1
      %sub3A = arith.constant 1 : i32
      %sub3A_41 = arith.subi %div3A, %sub3A : i32
      %select_n3A = arith.select %and3A, %sub3A_41, %div3A : i32
      %jit3A_42 = arith.constant 64 : i32
      %eq3A = arith.constant 0 : i32
      %eq3A_43 = arith.cmpi eq, %jit3A_42, %eq3A : i32
      %jit3A_44 = arith.constant 1 : i32
      %select_n3A_45 = arith.select %eq3A_43, %jit3A_44, %jit3A_42 : i32
      %rem3A_46 = arith.remsi %add3A_25, %select_n3A_45 : i32
      %ne3A_47 = arith.constant 0 : i32
      %ne3A_48 = arith.cmpi ne, %rem3A_46, %ne3A_47 : i32
      %lt3A = arith.constant 0 : i32
      %lt3A_49 = arith.cmpi slt, %rem3A_46, %lt3A : i32
      %lt3A_50 = arith.constant 0 : i32
      %lt3A_51 = arith.cmpi slt, %select_n3A_45, %lt3A_50 : i32
      %ne3A_52 = arith.xori %lt3A_49, %lt3A_51 : i1
      %and3A_53 = arith.andi %ne3A_52, %ne3A_48 : i1
      %add3A_54 = arith.addi %rem3A_46, %select_n3A_45 : i32
      %select_n3A_55 = arith.select %and3A_53, %add3A_54, %rem3A_46 : i32
      %dma_start3A = arith.constant 0 : i32
      %dma_start3A_56 = tpu.memref_slice %arg4[%select_n3A, %select_n3A_55, %dma_start3A] : memref<26x64x100000xf32, #tpu.memory_space<hbm>> -> memref<1x1x100000xf32, #tpu.memory_space<hbm>>
      %dma_start3A_57 = tpu.memref_squeeze %dma_start3A_56 : memref<1x1x100000xf32, #tpu.memory_space<hbm>> -> memref<100000xf32, #tpu.memory_space<hbm>>
      %dma_start3A_58 = arith.constant 0 : i32
      %dma_start3A_59 = tpu.memref_slice %arg4[%select_n3A, %select_n3A_55, %dma_start3A_58] : memref<26x64x100000xf32, #tpu.memory_space<hbm>> -> memref<1x1x100000xf32, #tpu.memory_space<hbm>>
      %dma_start3A_60 = tpu.memref_squeeze %dma_start3A_59 : memref<1x1x100000xf32, #tpu.memory_space<hbm>> -> memref<100000xf32, #tpu.memory_space<hbm>>
      tpu.enqueue_dma source(%dma_start3A_60 : memref<100000xf32, #tpu.memory_space<hbm>>) target(%arg7 : memref<100000xf32, #tpu.memory_space<vmem>>) target_semaphore(%arg11 : memref<!tpu.dma_semaphore, #tpu.memory_space<semaphore_mem>>)
      %gt3A = arith.constant 0 : i32
      %gt3A_61 = arith.cmpi sgt, %scan3A_21, %gt3A : i32
      %convert_element_type3A = arith.extui %gt3A_61 : i1 to i32
      %cond3A = arith.constant 0 : i32
      %cond3A_62 = arith.cmpi ne, %convert_element_type3A, %cond3A : i32
      scf.if %cond3A_62 {
        %dma_wait3A_146 = arith.constant 0 : i32
        %dma_wait3A_147 = arith.constant 0 : i32
        %dma_wait3A_148 = arith.constant 0 : i32
        %dma_wait3A_149 = tpu.memref_slice %arg4[%dma_wait3A_146, %dma_wait3A_147, %dma_wait3A_148] : memref<26x64x100000xf32, #tpu.memory_space<hbm>> -> memref<1x1x8192xf32, #tpu.memory_space<hbm>>
        %dma_wait3A_150 = tpu.memref_squeeze %dma_wait3A_149 : memref<1x1x8192xf32, #tpu.memory_space<hbm>> -> memref<8192xf32, #tpu.memory_space<hbm>>
        %dma_wait3A_151 = arith.constant 0 : i32
        %dma_wait3A_152 = tpu.memref_slice %arg4[%dma_wait3A_146, %dma_wait3A_147, %dma_wait3A_151] : memref<26x64x100000xf32, #tpu.memory_space<hbm>> -> memref<1x1x8192xf32, #tpu.memory_space<hbm>>
        %dma_wait3A_153 = tpu.memref_squeeze %dma_wait3A_152 : memref<1x1x8192xf32, #tpu.memory_space<hbm>> -> memref<8192xf32, #tpu.memory_space<hbm>>
        tpu.wait_dma2 semaphore(%arg13 : memref<!tpu.dma_semaphore, #tpu.memory_space<semaphore_mem>>) src(%dma_wait3A_153 : memref<8192xf32, #tpu.memory_space<hbm>>) dst(%arg9 : memref<8192xf32, #tpu.memory_space<vmem>>)
      } else {
      }
      %ne3A_63 = arith.cmpi ne, %select_n3A, %scan3A_22 : i32
      %convert_element_type3A_64 = arith.extui %ne3A_63 : i1 to i32
      %cond3A_65 = arith.constant 0 : i32
      %cond3A_66 = arith.cmpi ne, %convert_element_type3A_64, %cond3A_65 : i32
      scf.if %cond3A_66 {
        "tpu.region"() ({
          %run_scoped3A = tpu.sem_alloc : memref<!tpu.dma_semaphore, #tpu.memory_space<semaphore_mem>>
          %dma_start3A_146 = arith.constant 0 : i32
          %dma_start3A_147 = tpu.memref_slice %arg2[%select_n3A, %dma_start3A_146] : memref<26x16384xi32, #tpu.memory_space<hbm>> -> memref<1x16384xi32, #tpu.memory_space<hbm>>
          %dma_start3A_148 = tpu.memref_squeeze %dma_start3A_147 : memref<1x16384xi32, #tpu.memory_space<hbm>> -> memref<16384xi32, #tpu.memory_space<hbm>>
          %dma_start3A_149 = arith.constant 0 : i32
          %dma_start3A_150 = tpu.memref_slice %arg2[%select_n3A, %dma_start3A_149] : memref<26x16384xi32, #tpu.memory_space<hbm>> -> memref<1x16384xi32, #tpu.memory_space<hbm>>
          %dma_start3A_151 = tpu.memref_squeeze %dma_start3A_150 : memref<1x16384xi32, #tpu.memory_space<hbm>> -> memref<16384xi32, #tpu.memory_space<hbm>>
          tpu.enqueue_dma source(%dma_start3A_151 : memref<16384xi32, #tpu.memory_space<hbm>>) target(%arg8 : memref<16384xi32, #tpu.memory_space<vmem>>) target_semaphore(%run_scoped3A : memref<!tpu.dma_semaphore, #tpu.memory_space<semaphore_mem>>)
          %dma_wait3A_152 = arith.constant 0 : i32
          %dma_wait3A_153 = tpu.memref_slice %arg2[%select_n3A, %dma_wait3A_152] : memref<26x16384xi32, #tpu.memory_space<hbm>> -> memref<1x16384xi32, #tpu.memory_space<hbm>>
          %dma_wait3A_154 = tpu.memref_squeeze %dma_wait3A_153 : memref<1x16384xi32, #tpu.memory_space<hbm>> -> memref<16384xi32, #tpu.memory_space<hbm>>
          %dma_wait3A_155 = arith.constant 0 : i32
          %dma_wait3A_156 = tpu.memref_slice %arg2[%select_n3A, %dma_wait3A_155] : memref<26x16384xi32, #tpu.memory_space<hbm>> -> memref<1x16384xi32, #tpu.memory_space<hbm>>
          %dma_wait3A_157 = tpu.memref_squeeze %dma_wait3A_156 : memref<1x16384xi32, #tpu.memory_space<hbm>> -> memref<16384xi32, #tpu.memory_space<hbm>>
          tpu.wait_dma2 semaphore(%run_scoped3A : memref<!tpu.dma_semaphore, #tpu.memory_space<semaphore_mem>>) src(%dma_wait3A_157 : memref<16384xi32, #tpu.memory_space<hbm>>) dst(%arg8 : memref<16384xi32, #tpu.memory_space<vmem>>)
          tpu.yield
        }) : () -> ()
      } else {
      }
      %dma_wait3A_67 = arith.constant 0 : i32
      %dma_wait3A_68 = tpu.memref_slice %arg4[%select_n3A, %select_n3A_55, %dma_wait3A_67] : memref<26x64x100000xf32, #tpu.memory_space<hbm>> -> memref<1x1x100000xf32, #tpu.memory_space<hbm>>
      %dma_wait3A_69 = tpu.memref_squeeze %dma_wait3A_68 : memref<1x1x100000xf32, #tpu.memory_space<hbm>> -> memref<100000xf32, #tpu.memory_space<hbm>>
      %dma_wait3A_70 = arith.constant 0 : i32
      %dma_wait3A_71 = tpu.memref_slice %arg4[%select_n3A, %select_n3A_55, %dma_wait3A_70] : memref<26x64x100000xf32, #tpu.memory_space<hbm>> -> memref<1x1x100000xf32, #tpu.memory_space<hbm>>
      %dma_wait3A_72 = tpu.memref_squeeze %dma_wait3A_71 : memref<1x1x100000xf32, #tpu.memory_space<hbm>> -> memref<100000xf32, #tpu.memory_space<hbm>>
      tpu.wait_dma2 semaphore(%arg11 : memref<!tpu.dma_semaphore, #tpu.memory_space<semaphore_mem>>) src(%dma_wait3A_72 : memref<100000xf32, #tpu.memory_space<hbm>>) dst(%arg7 : memref<100000xf32, #tpu.memory_space<vmem>>)
      %add3A_73 = arith.constant 13 : i32
      %add3A_74 = arith.addi %add3A_73, %select_n3A : i32
      %parallel_loop3A = arith.constant 0 : i32
      %parallel_loop3A_75 = arith.constant 4096 : i32
      %parallel_loop3A_76 = arith.constant 16 : i32
      scf.for %parallel_loop3A_146 = %parallel_loop3A to %parallel_loop3A_75 step %parallel_loop3A_76  : i32 {
        %parallel_loop3A_147 = arith.constant 0 : i32
        %parallel_loop3A_148 = arith.addi %parallel_loop3A_147, %parallel_loop3A_146 : i32
        %parallel_loop3A_149 = arith.index_cast %parallel_loop3A_148 : i32 to index
        %parallel_loop3A_150 = tpu.vector_load %arg8[%parallel_loop3A_149] {strides = array<i32>} : memref<16384xi32, #tpu.memory_space<vmem>>, vector<16xi32>,
        %parallel_loop3A_151 = tpu.vector_load_idx %arg7[%parallel_loop3A_150] : memref<100000xf32, #tpu.memory_space<vmem>>[vector<16xi32>], vector<16xf32>,
        %parallel_loop3A_152 = arith.constant 0 : i32
        %parallel_loop3A_153 = arith.addi %parallel_loop3A_152, %parallel_loop3A_146 : i32
        %parallel_loop3A_154 = arith.index_cast %parallel_loop3A_153 : i32 to index
        %parallel_loop3A_155 = tpu.vector_load %arg9[%parallel_loop3A_154] {strides = array<i32>} : memref<8192xf32, #tpu.memory_space<vmem>>, vector<16xf32>,
        tpu.vector_store %arg9[%parallel_loop3A_154], %parallel_loop3A_151 {strides = array<i32>} : memref<8192xf32, #tpu.memory_space<vmem>>, vector<16xf32>,
      } {sc.loop_unroll_factor = 8 : i64, sc.parallel_access}
      %dma_start3A_77 = arith.constant 0 : i32
      %dma_start3A_78 = tpu.memref_slice %arg9[%dma_start3A_77] : memref<8192xf32, #tpu.memory_space<vmem>> -> memref<4096xf32, #tpu.memory_space<vmem>>
      %dma_start3A_79 = arith.constant 0 : i32
      %dma_start3A_80 = tpu.memref_slice %arg6[%add3A_74, %select_n3A_55, %dma_start3A_79] : memref<39x64x16384xf32, #tpu.memory_space<hbm>> -> memref<1x1x4096xf32, #tpu.memory_space<hbm>>
      %dma_start3A_81 = tpu.memref_squeeze %dma_start3A_80 : memref<1x1x4096xf32, #tpu.memory_space<hbm>> -> memref<4096xf32, #tpu.memory_space<hbm>>
      %dma_start3A_82 = arith.constant 0 : i32
      %dma_start3A_83 = tpu.memref_slice %arg6[%add3A_74, %select_n3A_55, %dma_start3A_82] : memref<39x64x16384xf32, #tpu.memory_space<hbm>> -> memref<1x1x4096xf32, #tpu.memory_space<hbm>>
      %dma_start3A_84 = tpu.memref_squeeze %dma_start3A_83 : memref<1x1x4096xf32, #tpu.memory_space<hbm>> -> memref<4096xf32, #tpu.memory_space<hbm>>
      %dma_start3A_85 = arith.constant 0 : i32
      %dma_start3A_86 = tpu.memref_slice %arg9[%dma_start3A_85] : memref<8192xf32, #tpu.memory_space<vmem>> -> memref<4096xf32, #tpu.memory_space<vmem>>
      tpu.enqueue_dma source(%dma_start3A_86 : memref<4096xf32, #tpu.memory_space<vmem>>) target(%dma_start3A_84 : memref<4096xf32, #tpu.memory_space<hbm>>) target_semaphore(%arg13 : memref<!tpu.dma_semaphore, #tpu.memory_space<semaphore_mem>>)
      %parallel_loop3A_87 = arith.constant 0 : i32
      %parallel_loop3A_88 = arith.constant 4096 : i32
      %parallel_loop3A_89 = arith.constant 16 : i32
      scf.for %parallel_loop3A_146 = %parallel_loop3A_87 to %parallel_loop3A_88 step %parallel_loop3A_89  : i32 {
        %parallel_loop3A_147 = arith.constant 4096 : i32
        %parallel_loop3A_148 = arith.addi %parallel_loop3A_147, %parallel_loop3A_146 : i32
        %parallel_loop3A_149 = arith.index_cast %parallel_loop3A_148 : i32 to index
        %parallel_loop3A_150 = tpu.vector_load %arg8[%parallel_loop3A_149] {strides = array<i32>} : memref<16384xi32, #tpu.memory_space<vmem>>, vector<16xi32>,
        %parallel_loop3A_151 = tpu.vector_load_idx %arg7[%parallel_loop3A_150] : memref<100000xf32, #tpu.memory_space<vmem>>[vector<16xi32>], vector<16xf32>,
        %parallel_loop3A_152 = arith.constant 4096 : i32
        %parallel_loop3A_153 = arith.addi %parallel_loop3A_152, %parallel_loop3A_146 : i32
        %parallel_loop3A_154 = arith.index_cast %parallel_loop3A_153 : i32 to index
        %parallel_loop3A_155 = tpu.vector_load %arg9[%parallel_loop3A_154] {strides = array<i32>} : memref<8192xf32, #tpu.memory_space<vmem>>, vector<16xf32>,
        tpu.vector_store %arg9[%parallel_loop3A_154], %parallel_loop3A_151 {strides = array<i32>} : memref<8192xf32, #tpu.memory_space<vmem>>, vector<16xf32>,
      } {sc.loop_unroll_factor = 8 : i64, sc.parallel_access}
      %dma_start3A_90 = arith.constant 4096 : i32
      %dma_start3A_91 = tpu.memref_slice %arg9[%dma_start3A_90] : memref<8192xf32, #tpu.memory_space<vmem>> -> memref<4096xf32, #tpu.memory_space<vmem>>
      %dma_start3A_92 = arith.constant 4096 : i32
      %dma_start3A_93 = tpu.memref_slice %arg6[%add3A_74, %select_n3A_55, %dma_start3A_92] : memref<39x64x16384xf32, #tpu.memory_space<hbm>> -> memref<1x1x4096xf32, #tpu.memory_space<hbm>>
      %dma_start3A_94 = tpu.memref_squeeze %dma_start3A_93 : memref<1x1x4096xf32, #tpu.memory_space<hbm>> -> memref<4096xf32, #tpu.memory_space<hbm>>
      %dma_start3A_95 = arith.constant 4096 : i32
      %dma_start3A_96 = tpu.memref_slice %arg6[%add3A_74, %select_n3A_55, %dma_start3A_95] : memref<39x64x16384xf32, #tpu.memory_space<hbm>> -> memref<1x1x4096xf32, #tpu.memory_space<hbm>>
      %dma_start3A_97 = tpu.memref_squeeze %dma_start3A_96 : memref<1x1x4096xf32, #tpu.memory_space<hbm>> -> memref<4096xf32, #tpu.memory_space<hbm>>
      %dma_start3A_98 = arith.constant 4096 : i32
      %dma_start3A_99 = tpu.memref_slice %arg9[%dma_start3A_98] : memref<8192xf32, #tpu.memory_space<vmem>> -> memref<4096xf32, #tpu.memory_space<vmem>>
      tpu.enqueue_dma source(%dma_start3A_99 : memref<4096xf32, #tpu.memory_space<vmem>>) target(%dma_start3A_97 : memref<4096xf32, #tpu.memory_space<hbm>>) target_semaphore(%arg13 : memref<!tpu.dma_semaphore, #tpu.memory_space<semaphore_mem>>)
      %dma_wait3A_100 = arith.constant 0 : i32
      %dma_wait3A_101 = tpu.memref_slice %arg9[%dma_wait3A_100] : memref<8192xf32, #tpu.memory_space<vmem>> -> memref<4096xf32, #tpu.memory_space<vmem>>
      %dma_wait3A_102 = arith.constant 0 : i32
      %dma_wait3A_103 = tpu.memref_slice %arg6[%add3A_74, %select_n3A_55, %dma_wait3A_102] : memref<39x64x16384xf32, #tpu.memory_space<hbm>> -> memref<1x1x4096xf32, #tpu.memory_space<hbm>>
      %dma_wait3A_104 = tpu.memref_squeeze %dma_wait3A_103 : memref<1x1x4096xf32, #tpu.memory_space<hbm>> -> memref<4096xf32, #tpu.memory_space<hbm>>
      %dma_wait3A_105 = arith.constant 0 : i32
      %dma_wait3A_106 = tpu.memref_slice %arg6[%add3A_74, %select_n3A_55, %dma_wait3A_105] : memref<39x64x16384xf32, #tpu.memory_space<hbm>> -> memref<1x1x4096xf32, #tpu.memory_space<hbm>>
      %dma_wait3A_107 = tpu.memref_squeeze %dma_wait3A_106 : memref<1x1x4096xf32, #tpu.memory_space<hbm>> -> memref<4096xf32, #tpu.memory_space<hbm>>
      %dma_wait3A_108 = arith.constant 0 : i32
      %dma_wait3A_109 = tpu.memref_slice %arg9[%dma_wait3A_108] : memref<8192xf32, #tpu.memory_space<vmem>> -> memref<4096xf32, #tpu.memory_space<vmem>>
      tpu.wait_dma2 semaphore(%arg13 : memref<!tpu.dma_semaphore, #tpu.memory_space<semaphore_mem>>) src(%dma_wait3A_109 : memref<4096xf32, #tpu.memory_space<vmem>>) dst(%dma_wait3A_107 : memref<4096xf32, #tpu.memory_space<hbm>>)
      %parallel_loop3A_110 = arith.constant 0 : i32
      %parallel_loop3A_111 = arith.constant 4096 : i32
      %parallel_loop3A_112 = arith.constant 16 : i32
      scf.for %parallel_loop3A_146 = %parallel_loop3A_110 to %parallel_loop3A_111 step %parallel_loop3A_112  : i32 {
        %parallel_loop3A_147 = arith.constant 8192 : i32
        %parallel_loop3A_148 = arith.addi %parallel_loop3A_147, %parallel_loop3A_146 : i32
        %parallel_loop3A_149 = arith.index_cast %parallel_loop3A_148 : i32 to index
        %parallel_loop3A_150 = tpu.vector_load %arg8[%parallel_loop3A_149] {strides = array<i32>} : memref<16384xi32, #tpu.memory_space<vmem>>, vector<16xi32>,
        %parallel_loop3A_151 = tpu.vector_load_idx %arg7[%parallel_loop3A_150] : memref<100000xf32, #tpu.memory_space<vmem>>[vector<16xi32>], vector<16xf32>,
        %parallel_loop3A_152 = arith.constant 0 : i32
        %parallel_loop3A_153 = arith.addi %parallel_loop3A_152, %parallel_loop3A_146 : i32
        %parallel_loop3A_154 = arith.index_cast %parallel_loop3A_153 : i32 to index
        %parallel_loop3A_155 = tpu.vector_load %arg9[%parallel_loop3A_154] {strides = array<i32>} : memref<8192xf32, #tpu.memory_space<vmem>>, vector<16xf32>,
        tpu.vector_store %arg9[%parallel_loop3A_154], %parallel_loop3A_151 {strides = array<i32>} : memref<8192xf32, #tpu.memory_space<vmem>>, vector<16xf32>,
      } {sc.loop_unroll_factor = 8 : i64, sc.parallel_access}
      %dma_start3A_113 = arith.constant 0 : i32
      %dma_start3A_114 = tpu.memref_slice %arg9[%dma_start3A_113] : memref<8192xf32, #tpu.memory_space<vmem>> -> memref<4096xf32, #tpu.memory_space<vmem>>
      %dma_start3A_115 = arith.constant 8192 : i32
      %dma_start3A_116 = tpu.memref_slice %arg6[%add3A_74, %select_n3A_55, %dma_start3A_115] : memref<39x64x16384xf32, #tpu.memory_space<hbm>> -> memref<1x1x4096xf32, #tpu.memory_space<hbm>>
      %dma_start3A_117 = tpu.memref_squeeze %dma_start3A_116 : memref<1x1x4096xf32, #tpu.memory_space<hbm>> -> memref<4096xf32, #tpu.memory_space<hbm>>
      %dma_start3A_118 = arith.constant 8192 : i32
      %dma_start3A_119 = tpu.memref_slice %arg6[%add3A_74, %select_n3A_55, %dma_start3A_118] : memref<39x64x16384xf32, #tpu.memory_space<hbm>> -> memref<1x1x4096xf32, #tpu.memory_space<hbm>>
      %dma_start3A_120 = tpu.memref_squeeze %dma_start3A_119 : memref<1x1x4096xf32, #tpu.memory_space<hbm>> -> memref<4096xf32, #tpu.memory_space<hbm>>
      %dma_start3A_121 = arith.constant 0 : i32
      %dma_start3A_122 = tpu.memref_slice %arg9[%dma_start3A_121] : memref<8192xf32, #tpu.memory_space<vmem>> -> memref<4096xf32, #tpu.memory_space<vmem>>
      tpu.enqueue_dma source(%dma_start3A_122 : memref<4096xf32, #tpu.memory_space<vmem>>) target(%dma_start3A_120 : memref<4096xf32, #tpu.memory_space<hbm>>) target_semaphore(%arg13 : memref<!tpu.dma_semaphore, #tpu.memory_space<semaphore_mem>>)
      %dma_wait3A_123 = arith.constant 4096 : i32
      %dma_wait3A_124 = tpu.memref_slice %arg9[%dma_wait3A_123] : memref<8192xf32, #tpu.memory_space<vmem>> -> memref<4096xf32, #tpu.memory_space<vmem>>
      %dma_wait3A_125 = arith.constant 4096 : i32
      %dma_wait3A_126 = tpu.memref_slice %arg6[%add3A_74, %select_n3A_55, %dma_wait3A_125] : memref<39x64x16384xf32, #tpu.memory_space<hbm>> -> memref<1x1x4096xf32, #tpu.memory_space<hbm>>
      %dma_wait3A_127 = tpu.memref_squeeze %dma_wait3A_126 : memref<1x1x4096xf32, #tpu.memory_space<hbm>> -> memref<4096xf32, #tpu.memory_space<hbm>>
      %dma_wait3A_128 = arith.constant 4096 : i32
      %dma_wait3A_129 = tpu.memref_slice %arg6[%add3A_74, %select_n3A_55, %dma_wait3A_128] : memref<39x64x16384xf32, #tpu.memory_space<hbm>> -> memref<1x1x4096xf32, #tpu.memory_space<hbm>>
      %dma_wait3A_130 = tpu.memref_squeeze %dma_wait3A_129 : memref<1x1x4096xf32, #tpu.memory_space<hbm>> -> memref<4096xf32, #tpu.memory_space<hbm>>
      %dma_wait3A_131 = arith.constant 4096 : i32
      %dma_wait3A_132 = tpu.memref_slice %arg9[%dma_wait3A_131] : memref<8192xf32, #tpu.memory_space<vmem>> -> memref<4096xf32, #tpu.memory_space<vmem>>
      tpu.wait_dma2 semaphore(%arg13 : memref<!tpu.dma_semaphore, #tpu.memory_space<semaphore_mem>>) src(%dma_wait3A_132 : memref<4096xf32, #tpu.memory_space<vmem>>) dst(%dma_wait3A_130 : memref<4096xf32, #tpu.memory_space<hbm>>)
      %parallel_loop3A_133 = arith.constant 0 : i32
      %parallel_loop3A_134 = arith.constant 4096 : i32
      %parallel_loop3A_135 = arith.constant 16 : i32
      scf.for %parallel_loop3A_146 = %parallel_loop3A_133 to %parallel_loop3A_134 step %parallel_loop3A_135  : i32 {
        %parallel_loop3A_147 = arith.constant 12288 : i32
        %parallel_loop3A_148 = arith.addi %parallel_loop3A_147, %parallel_loop3A_146 : i32
        %parallel_loop3A_149 = arith.index_cast %parallel_loop3A_148 : i32 to index
        %parallel_loop3A_150 = tpu.vector_load %arg8[%parallel_loop3A_149] {strides = array<i32>} : memref<16384xi32, #tpu.memory_space<vmem>>, vector<16xi32>,
        %parallel_loop3A_151 = tpu.vector_load_idx %arg7[%parallel_loop3A_150] : memref<100000xf32, #tpu.memory_space<vmem>>[vector<16xi32>], vector<16xf32>,
        %parallel_loop3A_152 = arith.constant 4096 : i32
        %parallel_loop3A_153 = arith.addi %parallel_loop3A_152, %parallel_loop3A_146 : i32
        %parallel_loop3A_154 = arith.index_cast %parallel_loop3A_153 : i32 to index
        %parallel_loop3A_155 = tpu.vector_load %arg9[%parallel_loop3A_154] {strides = array<i32>} : memref<8192xf32, #tpu.memory_space<vmem>>, vector<16xf32>,
        tpu.vector_store %arg9[%parallel_loop3A_154], %parallel_loop3A_151 {strides = array<i32>} : memref<8192xf32, #tpu.memory_space<vmem>>, vector<16xf32>,
      } {sc.loop_unroll_factor = 8 : i64, sc.parallel_access}
      %dma_start3A_136 = arith.constant 4096 : i32
      %dma_start3A_137 = tpu.memref_slice %arg9[%dma_start3A_136] : memref<8192xf32, #tpu.memory_space<vmem>> -> memref<4096xf32, #tpu.memory_space<vmem>>
      %dma_start3A_138 = arith.constant 12288 : i32
      %dma_start3A_139 = tpu.memref_slice %arg6[%add3A_74, %select_n3A_55, %dma_start3A_138] : memref<39x64x16384xf32, #tpu.memory_space<hbm>> -> memref<1x1x4096xf32, #tpu.memory_space<hbm>>
      %dma_start3A_140 = tpu.memref_squeeze %dma_start3A_139 : memref<1x1x4096xf32, #tpu.memory_space<hbm>> -> memref<4096xf32, #tpu.memory_space<hbm>>
      %dma_start3A_141 = arith.constant 12288 : i32
      %dma_start3A_142 = tpu.memref_slice %arg6[%add3A_74, %select_n3A_55, %dma_start3A_141] : memref<39x64x16384xf32, #tpu.memory_space<hbm>> -> memref<1x1x4096xf32, #tpu.memory_space<hbm>>
      %dma_start3A_143 = tpu.memref_squeeze %dma_start3A_142 : memref<1x1x4096xf32, #tpu.memory_space<hbm>> -> memref<4096xf32, #tpu.memory_space<hbm>>
      %dma_start3A_144 = arith.constant 4096 : i32
      %dma_start3A_145 = tpu.memref_slice %arg9[%dma_start3A_144] : memref<8192xf32, #tpu.memory_space<vmem>> -> memref<4096xf32, #tpu.memory_space<vmem>>
      tpu.enqueue_dma source(%dma_start3A_145 : memref<4096xf32, #tpu.memory_space<vmem>>) target(%dma_start3A_143 : memref<4096xf32, #tpu.memory_space<hbm>>) target_semaphore(%arg13 : memref<!tpu.dma_semaphore, #tpu.memory_space<semaphore_mem>>)
      scf.yield %select_n3A : i32
    }
    %scan3A_6 = arith.constant 52 : i32
    %scan3A_7 = arith.constant -1 : i32
    %scan3A_8 = arith.constant 0 : i32
    %scan3A_9 = arith.constant 26 : i32
    %scan3A_10 = arith.addi %scan3A_8, %scan3A_9 : i32
    %scan3A_11 = arith.constant 1 : i32
    %scan3A_12 = scf.for %scan3A_21 = %scan3A_8 to %scan3A_10 step %scan3A_11 iter_args(%scan3A_22 = %scan3A_7) -> (i32)  : i32 {
      %mul3A_23 = arith.constant 26 : i32
      %mul3A_24 = arith.muli %add3A, %mul3A_23 : i32
      %add3A_25 = arith.addi %mul3A_24, %scan3A_21 : i32
      %jit3A = arith.constant 64 : i32
      %div3A = arith.divsi %add3A_25, %jit3A : i32
      %sign3A = arith.constant 0 : i32
      %sign3A_26 = arith.cmpi sgt, %add3A_25, %sign3A : i32
      %sign3A_27 = arith.extui %sign3A_26 : i1 to i32
      %sign3A_28 = arith.constant 0 : i32
      %sign3A_29 = arith.cmpi slt, %add3A_25, %sign3A_28 : i32
      %sign3A_30 = arith.extui %sign3A_29 : i1 to i32
      %sign3A_31 = arith.subi %sign3A_27, %sign3A_30 : i32
      %sign3A_32 = arith.constant 0 : i32
      %sign3A_33 = arith.cmpi sgt, %jit3A, %sign3A_32 : i32
      %sign3A_34 = arith.extui %sign3A_33 : i1 to i32
      %sign3A_35 = arith.constant 0 : i32
      %sign3A_36 = arith.cmpi slt, %jit3A, %sign3A_35 : i32
      %sign3A_37 = arith.extui %sign3A_36 : i1 to i32
      %sign3A_38 = arith.subi %sign3A_34, %sign3A_37 : i32
      %ne3A = arith.cmpi ne, %sign3A_31, %sign3A_38 : i32
      %rem3A = arith.remsi %add3A_25, %jit3A : i32
      %ne3A_39 = arith.constant 0 : i32
      %ne3A_40 = arith.cmpi ne, %rem3A, %ne3A_39 : i32
      %and3A = arith.andi %ne3A, %ne3A_40 : i1
      %sub3A = arith.constant 1 : i32
      %sub3A_41 = arith.subi %div3A, %sub3A : i32
      %select_n3A = arith.select %and3A, %sub3A_41, %div3A : i32
      %jit3A_42 = arith.constant 64 : i32
      %eq3A = arith.constant 0 : i32
      %eq3A_43 = arith.cmpi eq, %jit3A_42, %eq3A : i32
      %jit3A_44 = arith.constant 1 : i32
      %select_n3A_45 = arith.select %eq3A_43, %jit3A_44, %jit3A_42 : i32
      %rem3A_46 = arith.remsi %add3A_25, %select_n3A_45 : i32
      %ne3A_47 = arith.constant 0 : i32
      %ne3A_48 = arith.cmpi ne, %rem3A_46, %ne3A_47 : i32
      %lt3A = arith.constant 0 : i32
      %lt3A_49 = arith.cmpi slt, %rem3A_46, %lt3A : i32
      %lt3A_50 = arith.constant 0 : i32
      %lt3A_51 = arith.cmpi slt, %select_n3A_45, %lt3A_50 : i32
      %ne3A_52 = arith.xori %lt3A_49, %lt3A_51 : i1
      %and3A_53 = arith.andi %ne3A_52, %ne3A_48 : i1
      %add3A_54 = arith.addi %rem3A_46, %select_n3A_45 : i32
      %select_n3A_55 = arith.select %and3A_53, %add3A_54, %rem3A_46 : i32
      %dma_wait3A_56 = arith.constant 0 : i32
      %dma_wait3A_57 = arith.constant 0 : i32
      %dma_wait3A_58 = arith.constant 0 : i32
      %dma_wait3A_59 = tpu.memref_slice %arg4[%dma_wait3A_56, %dma_wait3A_57, %dma_wait3A_58] : memref<26x64x100000xf32, #tpu.memory_space<hbm>> -> memref<1x1x8192xf32, #tpu.memory_space<hbm>>
      %dma_wait3A_60 = tpu.memref_squeeze %dma_wait3A_59 : memref<1x1x8192xf32, #tpu.memory_space<hbm>> -> memref<8192xf32, #tpu.memory_space<hbm>>
      %dma_wait3A_61 = arith.constant 0 : i32
      %dma_wait3A_62 = tpu.memref_slice %arg4[%dma_wait3A_56, %dma_wait3A_57, %dma_wait3A_61] : memref<26x64x100000xf32, #tpu.memory_space<hbm>> -> memref<1x1x8192xf32, #tpu.memory_space<hbm>>
      %dma_wait3A_63 = tpu.memref_squeeze %dma_wait3A_62 : memref<1x1x8192xf32, #tpu.memory_space<hbm>> -> memref<8192xf32, #tpu.memory_space<hbm>>
      tpu.wait_dma2 semaphore(%arg13 : memref<!tpu.dma_semaphore, #tpu.memory_space<semaphore_mem>>) src(%dma_wait3A_63 : memref<8192xf32, #tpu.memory_space<hbm>>) dst(%arg9 : memref<8192xf32, #tpu.memory_space<vmem>>)
      %ne3A_64 = arith.cmpi ne, %select_n3A, %scan3A_22 : i32
      %convert_element_type3A = arith.extui %ne3A_64 : i1 to i32
      %cond3A = arith.constant 0 : i32
      %cond3A_65 = arith.cmpi ne, %convert_element_type3A, %cond3A : i32
      scf.if %cond3A_65 {
        "tpu.region"() ({
          %run_scoped3A = tpu.sem_alloc : memref<!tpu.dma_semaphore, #tpu.memory_space<semaphore_mem>>
          %dma_start3A_136 = arith.constant 0 : i32
          %dma_start3A_137 = tpu.memref_slice %arg3[%select_n3A, %dma_start3A_136] : memref<13x16384xi32, #tpu.memory_space<hbm>> -> memref<1x16384xi32, #tpu.memory_space<hbm>>
          %dma_start3A_138 = tpu.memref_squeeze %dma_start3A_137 : memref<1x16384xi32, #tpu.memory_space<hbm>> -> memref<16384xi32, #tpu.memory_space<hbm>>
          %dma_start3A_139 = arith.constant 0 : i32
          %dma_start3A_140 = tpu.memref_slice %arg3[%select_n3A, %dma_start3A_139] : memref<13x16384xi32, #tpu.memory_space<hbm>> -> memref<1x16384xi32, #tpu.memory_space<hbm>>
          %dma_start3A_141 = tpu.memref_squeeze %dma_start3A_140 : memref<1x16384xi32, #tpu.memory_space<hbm>> -> memref<16384xi32, #tpu.memory_space<hbm>>
          tpu.enqueue_dma source(%dma_start3A_141 : memref<16384xi32, #tpu.memory_space<hbm>>) target(%arg8 : memref<16384xi32, #tpu.memory_space<vmem>>) target_semaphore(%run_scoped3A : memref<!tpu.dma_semaphore, #tpu.memory_space<semaphore_mem>>)
          %dma_wait3A_142 = arith.constant 0 : i32
          %dma_wait3A_143 = tpu.memref_slice %arg3[%select_n3A, %dma_wait3A_142] : memref<13x16384xi32, #tpu.memory_space<hbm>> -> memref<1x16384xi32, #tpu.memory_space<hbm>>
          %dma_wait3A_144 = tpu.memref_squeeze %dma_wait3A_143 : memref<1x16384xi32, #tpu.memory_space<hbm>> -> memref<16384xi32, #tpu.memory_space<hbm>>
          %dma_wait3A_145 = arith.constant 0 : i32
          %dma_wait3A_146 = tpu.memref_slice %arg3[%select_n3A, %dma_wait3A_145] : memref<13x16384xi32, #tpu.memory_space<hbm>> -> memref<1x16384xi32, #tpu.memory_space<hbm>>
          %dma_wait3A_147 = tpu.memref_squeeze %dma_wait3A_146 : memref<1x16384xi32, #tpu.memory_space<hbm>> -> memref<16384xi32, #tpu.memory_space<hbm>>
          tpu.wait_dma2 semaphore(%run_scoped3A : memref<!tpu.dma_semaphore, #tpu.memory_space<semaphore_mem>>) src(%dma_wait3A_147 : memref<16384xi32, #tpu.memory_space<hbm>>) dst(%arg8 : memref<16384xi32, #tpu.memory_space<vmem>>)
          tpu.yield
        }) : () -> ()
        "tpu.region"() ({
          %run_scoped3A = tpu.sem_alloc : memref<!tpu.dma_semaphore, #tpu.memory_space<semaphore_mem>>
          %dma_start3A_136 = arith.constant 0 : i32
          %dma_start3A_137 = tpu.memref_slice %arg5[%select_n3A, %dma_start3A_136] : memref<13x64xf32, #tpu.memory_space<hbm>> -> memref<1x64xf32, #tpu.memory_space<hbm>>
          %dma_start3A_138 = tpu.memref_squeeze %dma_start3A_137 : memref<1x64xf32, #tpu.memory_space<hbm>> -> memref<64xf32, #tpu.memory_space<hbm>>
          %dma_start3A_139 = arith.constant 0 : i32
          %dma_start3A_140 = tpu.memref_slice %arg5[%select_n3A, %dma_start3A_139] : memref<13x64xf32, #tpu.memory_space<hbm>> -> memref<1x64xf32, #tpu.memory_space<hbm>>
          %dma_start3A_141 = tpu.memref_squeeze %dma_start3A_140 : memref<1x64xf32, #tpu.memory_space<hbm>> -> memref<64xf32, #tpu.memory_space<hbm>>
          tpu.enqueue_dma source(%dma_start3A_141 : memref<64xf32, #tpu.memory_space<hbm>>) target(%arg10 : memref<64xf32, #tpu.memory_space<vmem>>) target_semaphore(%run_scoped3A : memref<!tpu.dma_semaphore, #tpu.memory_space<semaphore_mem>>)
          %dma_wait3A_142 = arith.constant 0 : i32
          %dma_wait3A_143 = tpu.memref_slice %arg5[%select_n3A, %dma_wait3A_142] : memref<13x64xf32, #tpu.memory_space<hbm>> -> memref<1x64xf32, #tpu.memory_space<hbm>>
          %dma_wait3A_144 = tpu.memref_squeeze %dma_wait3A_143 : memref<1x64xf32, #tpu.memory_space<hbm>> -> memref<64xf32, #tpu.memory_space<hbm>>
          %dma_wait3A_145 = arith.constant 0 : i32
          %dma_wait3A_146 = tpu.memref_slice %arg5[%select_n3A, %dma_wait3A_145] : memref<13x64xf32, #tpu.memory_space<hbm>> -> memref<1x64xf32, #tpu.memory_space<hbm>>
          %dma_wait3A_147 = tpu.memref_squeeze %dma_wait3A_146 : memref<1x64xf32, #tpu.memory_space<hbm>> -> memref<64xf32, #tpu.memory_space<hbm>>
          tpu.wait_dma2 semaphore(%run_scoped3A : memref<!tpu.dma_semaphore, #tpu.memory_space<semaphore_mem>>) src(%dma_wait3A_147 : memref<64xf32, #tpu.memory_space<hbm>>) dst(%arg10 : memref<64xf32, #tpu.memory_space<vmem>>)
          tpu.yield
        }) : () -> ()
      } else {
      }
      %broadcast_in_dim3A = vector.broadcast %select_n3A_55 : i32 to vector<16xi32>
      %gather3A = tpu.vector_load_idx %arg10[%broadcast_in_dim3A] : memref<64xf32, #tpu.memory_space<vmem>>[vector<16xi32>], vector<16xf32>,
      %parallel_loop3A = arith.constant 0 : i32
      %parallel_loop3A_66 = arith.constant 4096 : i32
      %parallel_loop3A_67 = arith.constant 16 : i32
      scf.for %parallel_loop3A_136 = %parallel_loop3A to %parallel_loop3A_66 step %parallel_loop3A_67  : i32 {
        %parallel_loop3A_137 = arith.constant 0 : i32
        %parallel_loop3A_138 = arith.addi %parallel_loop3A_137, %parallel_loop3A_136 : i32
        %parallel_loop3A_139 = arith.index_cast %parallel_loop3A_138 : i32 to index
        %parallel_loop3A_140 = tpu.vector_load %arg8[%parallel_loop3A_139] {strides = array<i32>} : memref<16384xi32, #tpu.memory_space<vmem>>, vector<16xi32>,
        %parallel_loop3A_141 = vector.bitcast %parallel_loop3A_140 : vector<16xi32> to vector<16xf32>
        %parallel_loop3A_142 = arith.mulf %parallel_loop3A_141, %gather3A : vector<16xf32>
        %parallel_loop3A_143 = arith.constant 0 : i32
        %parallel_loop3A_144 = arith.addi %parallel_loop3A_143, %parallel_loop3A_136 : i32
        %parallel_loop3A_145 = arith.index_cast %parallel_loop3A_144 : i32 to index
        %parallel_loop3A_146 = tpu.vector_load %arg9[%parallel_loop3A_145] {strides = array<i32>} : memref<8192xf32, #tpu.memory_space<vmem>>, vector<16xf32>,
        tpu.vector_store %arg9[%parallel_loop3A_145], %parallel_loop3A_142 {strides = array<i32>} : memref<8192xf32, #tpu.memory_space<vmem>>, vector<16xf32>,
      } {sc.loop_unroll_factor = 8 : i64, sc.parallel_access}
      %dma_start3A = arith.constant 0 : i32
      %dma_start3A_68 = tpu.memref_slice %arg9[%dma_start3A] : memref<8192xf32, #tpu.memory_space<vmem>> -> memref<4096xf32, #tpu.memory_space<vmem>>
      %dma_start3A_69 = arith.constant 0 : i32
      %dma_start3A_70 = tpu.memref_slice %arg6[%select_n3A, %select_n3A_55, %dma_start3A_69] : memref<39x64x16384xf32, #tpu.memory_space<hbm>> -> memref<1x1x4096xf32, #tpu.memory_space<hbm>>
      %dma_start3A_71 = tpu.memref_squeeze %dma_start3A_70 : memref<1x1x4096xf32, #tpu.memory_space<hbm>> -> memref<4096xf32, #tpu.memory_space<hbm>>
      %dma_start3A_72 = arith.constant 0 : i32
      %dma_start3A_73 = tpu.memref_slice %arg6[%select_n3A, %select_n3A_55, %dma_start3A_72] : memref<39x64x16384xf32, #tpu.memory_space<hbm>> -> memref<1x1x4096xf32, #tpu.memory_space<hbm>>
      %dma_start3A_74 = tpu.memref_squeeze %dma_start3A_73 : memref<1x1x4096xf32, #tpu.memory_space<hbm>> -> memref<4096xf32, #tpu.memory_space<hbm>>
      %dma_start3A_75 = arith.constant 0 : i32
      %dma_start3A_76 = tpu.memref_slice %arg9[%dma_start3A_75] : memref<8192xf32, #tpu.memory_space<vmem>> -> memref<4096xf32, #tpu.memory_space<vmem>>
      tpu.enqueue_dma source(%dma_start3A_76 : memref<4096xf32, #tpu.memory_space<vmem>>) target(%dma_start3A_74 : memref<4096xf32, #tpu.memory_space<hbm>>) target_semaphore(%arg13 : memref<!tpu.dma_semaphore, #tpu.memory_space<semaphore_mem>>)
      %parallel_loop3A_77 = arith.constant 0 : i32
      %parallel_loop3A_78 = arith.constant 4096 : i32
      %parallel_loop3A_79 = arith.constant 16 : i32
      scf.for %parallel_loop3A_136 = %parallel_loop3A_77 to %parallel_loop3A_78 step %parallel_loop3A_79  : i32 {
        %parallel_loop3A_137 = arith.constant 4096 : i32
        %parallel_loop3A_138 = arith.addi %parallel_loop3A_137, %parallel_loop3A_136 : i32
        %parallel_loop3A_139 = arith.index_cast %parallel_loop3A_138 : i32 to index
        %parallel_loop3A_140 = tpu.vector_load %arg8[%parallel_loop3A_139] {strides = array<i32>} : memref<16384xi32, #tpu.memory_space<vmem>>, vector<16xi32>,
        %parallel_loop3A_141 = vector.bitcast %parallel_loop3A_140 : vector<16xi32> to vector<16xf32>
        %parallel_loop3A_142 = arith.mulf %parallel_loop3A_141, %gather3A : vector<16xf32>
        %parallel_loop3A_143 = arith.constant 4096 : i32
        %parallel_loop3A_144 = arith.addi %parallel_loop3A_143, %parallel_loop3A_136 : i32
        %parallel_loop3A_145 = arith.index_cast %parallel_loop3A_144 : i32 to index
        %parallel_loop3A_146 = tpu.vector_load %arg9[%parallel_loop3A_145] {strides = array<i32>} : memref<8192xf32, #tpu.memory_space<vmem>>, vector<16xf32>,
        tpu.vector_store %arg9[%parallel_loop3A_145], %parallel_loop3A_142 {strides = array<i32>} : memref<8192xf32, #tpu.memory_space<vmem>>, vector<16xf32>,
      } {sc.loop_unroll_factor = 8 : i64, sc.parallel_access}
      %dma_start3A_80 = arith.constant 4096 : i32
      %dma_start3A_81 = tpu.memref_slice %arg9[%dma_start3A_80] : memref<8192xf32, #tpu.memory_space<vmem>> -> memref<4096xf32, #tpu.memory_space<vmem>>
      %dma_start3A_82 = arith.constant 4096 : i32
      %dma_start3A_83 = tpu.memref_slice %arg6[%select_n3A, %select_n3A_55, %dma_start3A_82] : memref<39x64x16384xf32, #tpu.memory_space<hbm>> -> memref<1x1x4096xf32, #tpu.memory_space<hbm>>
      %dma_start3A_84 = tpu.memref_squeeze %dma_start3A_83 : memref<1x1x4096xf32, #tpu.memory_space<hbm>> -> memref<4096xf32, #tpu.memory_space<hbm>>
      %dma_start3A_85 = arith.constant 4096 : i32
      %dma_start3A_86 = tpu.memref_slice %arg6[%select_n3A, %select_n3A_55, %dma_start3A_85] : memref<39x64x16384xf32, #tpu.memory_space<hbm>> -> memref<1x1x4096xf32, #tpu.memory_space<hbm>>
      %dma_start3A_87 = tpu.memref_squeeze %dma_start3A_86 : memref<1x1x4096xf32, #tpu.memory_space<hbm>> -> memref<4096xf32, #tpu.memory_space<hbm>>
      %dma_start3A_88 = arith.constant 4096 : i32
      %dma_start3A_89 = tpu.memref_slice %arg9[%dma_start3A_88] : memref<8192xf32, #tpu.memory_space<vmem>> -> memref<4096xf32, #tpu.memory_space<vmem>>
      tpu.enqueue_dma source(%dma_start3A_89 : memref<4096xf32, #tpu.memory_space<vmem>>) target(%dma_start3A_87 : memref<4096xf32, #tpu.memory_space<hbm>>) target_semaphore(%arg13 : memref<!tpu.dma_semaphore, #tpu.memory_space<semaphore_mem>>)
      %dma_wait3A_90 = arith.constant 0 : i32
      %dma_wait3A_91 = tpu.memref_slice %arg9[%dma_wait3A_90] : memref<8192xf32, #tpu.memory_space<vmem>> -> memref<4096xf32, #tpu.memory_space<vmem>>
      %dma_wait3A_92 = arith.constant 0 : i32
      %dma_wait3A_93 = tpu.memref_slice %arg6[%select_n3A, %select_n3A_55, %dma_wait3A_92] : memref<39x64x16384xf32, #tpu.memory_space<hbm>> -> memref<1x1x4096xf32, #tpu.memory_space<hbm>>
      %dma_wait3A_94 = tpu.memref_squeeze %dma_wait3A_93 : memref<1x1x4096xf32, #tpu.memory_space<hbm>> -> memref<4096xf32, #tpu.memory_space<hbm>>
      %dma_wait3A_95 = arith.constant 0 : i32
      %dma_wait3A_96 = tpu.memref_slice %arg6[%select_n3A, %select_n3A_55, %dma_wait3A_95] : memref<39x64x16384xf32, #tpu.memory_space<hbm>> -> memref<1x1x4096xf32, #tpu.memory_space<hbm>>
      %dma_wait3A_97 = tpu.memref_squeeze %dma_wait3A_96 : memref<1x1x4096xf32, #tpu.memory_space<hbm>> -> memref<4096xf32, #tpu.memory_space<hbm>>
      %dma_wait3A_98 = arith.constant 0 : i32
      %dma_wait3A_99 = tpu.memref_slice %arg9[%dma_wait3A_98] : memref<8192xf32, #tpu.memory_space<vmem>> -> memref<4096xf32, #tpu.memory_space<vmem>>
      tpu.wait_dma2 semaphore(%arg13 : memref<!tpu.dma_semaphore, #tpu.memory_space<semaphore_mem>>) src(%dma_wait3A_99 : memref<4096xf32, #tpu.memory_space<vmem>>) dst(%dma_wait3A_97 : memref<4096xf32, #tpu.memory_space<hbm>>)
      %parallel_loop3A_100 = arith.constant 0 : i32
      %parallel_loop3A_101 = arith.constant 4096 : i32
      %parallel_loop3A_102 = arith.constant 16 : i32
      scf.for %parallel_loop3A_136 = %parallel_loop3A_100 to %parallel_loop3A_101 step %parallel_loop3A_102  : i32 {
        %parallel_loop3A_137 = arith.constant 8192 : i32
        %parallel_loop3A_138 = arith.addi %parallel_loop3A_137, %parallel_loop3A_136 : i32
        %parallel_loop3A_139 = arith.index_cast %parallel_loop3A_138 : i32 to index
        %parallel_loop3A_140 = tpu.vector_load %arg8[%parallel_loop3A_139] {strides = array<i32>} : memref<16384xi32, #tpu.memory_space<vmem>>, vector<16xi32>,
        %parallel_loop3A_141 = vector.bitcast %parallel_loop3A_140 : vector<16xi32> to vector<16xf32>
        %parallel_loop3A_142 = arith.mulf %parallel_loop3A_141, %gather3A : vector<16xf32>
        %parallel_loop3A_143 = arith.constant 0 : i32
        %parallel_loop3A_144 = arith.addi %parallel_loop3A_143, %parallel_loop3A_136 : i32
        %parallel_loop3A_145 = arith.index_cast %parallel_loop3A_144 : i32 to index
        %parallel_loop3A_146 = tpu.vector_load %arg9[%parallel_loop3A_145] {strides = array<i32>} : memref<8192xf32, #tpu.memory_space<vmem>>, vector<16xf32>,
        tpu.vector_store %arg9[%parallel_loop3A_145], %parallel_loop3A_142 {strides = array<i32>} : memref<8192xf32, #tpu.memory_space<vmem>>, vector<16xf32>,
      } {sc.loop_unroll_factor = 8 : i64, sc.parallel_access}
      %dma_start3A_103 = arith.constant 0 : i32
      %dma_start3A_104 = tpu.memref_slice %arg9[%dma_start3A_103] : memref<8192xf32, #tpu.memory_space<vmem>> -> memref<4096xf32, #tpu.memory_space<vmem>>
      %dma_start3A_105 = arith.constant 8192 : i32
      %dma_start3A_106 = tpu.memref_slice %arg6[%select_n3A, %select_n3A_55, %dma_start3A_105] : memref<39x64x16384xf32, #tpu.memory_space<hbm>> -> memref<1x1x4096xf32, #tpu.memory_space<hbm>>
      %dma_start3A_107 = tpu.memref_squeeze %dma_start3A_106 : memref<1x1x4096xf32, #tpu.memory_space<hbm>> -> memref<4096xf32, #tpu.memory_space<hbm>>
      %dma_start3A_108 = arith.constant 8192 : i32
      %dma_start3A_109 = tpu.memref_slice %arg6[%select_n3A, %select_n3A_55, %dma_start3A_108] : memref<39x64x16384xf32, #tpu.memory_space<hbm>> -> memref<1x1x4096xf32, #tpu.memory_space<hbm>>
      %dma_start3A_110 = tpu.memref_squeeze %dma_start3A_109 : memref<1x1x4096xf32, #tpu.memory_space<hbm>> -> memref<4096xf32, #tpu.memory_space<hbm>>
      %dma_start3A_111 = arith.constant 0 : i32
      %dma_start3A_112 = tpu.memref_slice %arg9[%dma_start3A_111] : memref<8192xf32, #tpu.memory_space<vmem>> -> memref<4096xf32, #tpu.memory_space<vmem>>
      tpu.enqueue_dma source(%dma_start3A_112 : memref<4096xf32, #tpu.memory_space<vmem>>) target(%dma_start3A_110 : memref<4096xf32, #tpu.memory_space<hbm>>) target_semaphore(%arg13 : memref<!tpu.dma_semaphore, #tpu.memory_space<semaphore_mem>>)
      %dma_wait3A_113 = arith.constant 4096 : i32
      %dma_wait3A_114 = tpu.memref_slice %arg9[%dma_wait3A_113] : memref<8192xf32, #tpu.memory_space<vmem>> -> memref<4096xf32, #tpu.memory_space<vmem>>
      %dma_wait3A_115 = arith.constant 4096 : i32
      %dma_wait3A_116 = tpu.memref_slice %arg6[%select_n3A, %select_n3A_55, %dma_wait3A_115] : memref<39x64x16384xf32, #tpu.memory_space<hbm>> -> memref<1x1x4096xf32, #tpu.memory_space<hbm>>
      %dma_wait3A_117 = tpu.memref_squeeze %dma_wait3A_116 : memref<1x1x4096xf32, #tpu.memory_space<hbm>> -> memref<4096xf32, #tpu.memory_space<hbm>>
      %dma_wait3A_118 = arith.constant 4096 : i32
      %dma_wait3A_119 = tpu.memref_slice %arg6[%select_n3A, %select_n3A_55, %dma_wait3A_118] : memref<39x64x16384xf32, #tpu.memory_space<hbm>> -> memref<1x1x4096xf32, #tpu.memory_space<hbm>>
      %dma_wait3A_120 = tpu.memref_squeeze %dma_wait3A_119 : memref<1x1x4096xf32, #tpu.memory_space<hbm>> -> memref<4096xf32, #tpu.memory_space<hbm>>
      %dma_wait3A_121 = arith.constant 4096 : i32
      %dma_wait3A_122 = tpu.memref_slice %arg9[%dma_wait3A_121] : memref<8192xf32, #tpu.memory_space<vmem>> -> memref<4096xf32, #tpu.memory_space<vmem>>
      tpu.wait_dma2 semaphore(%arg13 : memref<!tpu.dma_semaphore, #tpu.memory_space<semaphore_mem>>) src(%dma_wait3A_122 : memref<4096xf32, #tpu.memory_space<vmem>>) dst(%dma_wait3A_120 : memref<4096xf32, #tpu.memory_space<hbm>>)
      %parallel_loop3A_123 = arith.constant 0 : i32
      %parallel_loop3A_124 = arith.constant 4096 : i32
      %parallel_loop3A_125 = arith.constant 16 : i32
      scf.for %parallel_loop3A_136 = %parallel_loop3A_123 to %parallel_loop3A_124 step %parallel_loop3A_125  : i32 {
        %parallel_loop3A_137 = arith.constant 12288 : i32
        %parallel_loop3A_138 = arith.addi %parallel_loop3A_137, %parallel_loop3A_136 : i32
        %parallel_loop3A_139 = arith.index_cast %parallel_loop3A_138 : i32 to index
        %parallel_loop3A_140 = tpu.vector_load %arg8[%parallel_loop3A_139] {strides = array<i32>} : memref<16384xi32, #tpu.memory_space<vmem>>, vector<16xi32>,
        %parallel_loop3A_141 = vector.bitcast %parallel_loop3A_140 : vector<16xi32> to vector<16xf32>
        %parallel_loop3A_142 = arith.mulf %parallel_loop3A_141, %gather3A : vector<16xf32>
        %parallel_loop3A_143 = arith.constant 4096 : i32
        %parallel_loop3A_144 = arith.addi %parallel_loop3A_143, %parallel_loop3A_136 : i32
        %parallel_loop3A_145 = arith.index_cast %parallel_loop3A_144 : i32 to index
        %parallel_loop3A_146 = tpu.vector_load %arg9[%parallel_loop3A_145] {strides = array<i32>} : memref<8192xf32, #tpu.memory_space<vmem>>, vector<16xf32>,
        tpu.vector_store %arg9[%parallel_loop3A_145], %parallel_loop3A_142 {strides = array<i32>} : memref<8192xf32, #tpu.memory_space<vmem>>, vector<16xf32>,
      } {sc.loop_unroll_factor = 8 : i64, sc.parallel_access}
      %dma_start3A_126 = arith.constant 4096 : i32
      %dma_start3A_127 = tpu.memref_slice %arg9[%dma_start3A_126] : memref<8192xf32, #tpu.memory_space<vmem>> -> memref<4096xf32, #tpu.memory_space<vmem>>
      %dma_start3A_128 = arith.constant 12288 : i32
      %dma_start3A_129 = tpu.memref_slice %arg6[%select_n3A, %select_n3A_55, %dma_start3A_128] : memref<39x64x16384xf32, #tpu.memory_space<hbm>> -> memref<1x1x4096xf32, #tpu.memory_space<hbm>>
      %dma_start3A_130 = tpu.memref_squeeze %dma_start3A_129 : memref<1x1x4096xf32, #tpu.memory_space<hbm>> -> memref<4096xf32, #tpu.memory_space<hbm>>
      %dma_start3A_131 = arith.constant 12288 : i32
      %dma_start3A_132 = tpu.memref_slice %arg6[%select_n3A, %select_n3A_55, %dma_start3A_131] : memref<39x64x16384xf32, #tpu.memory_space<hbm>> -> memref<1x1x4096xf32, #tpu.memory_space<hbm>>
      %dma_start3A_133 = tpu.memref_squeeze %dma_start3A_132 : memref<1x1x4096xf32, #tpu.memory_space<hbm>> -> memref<4096xf32, #tpu.memory_space<hbm>>
      %dma_start3A_134 = arith.constant 4096 : i32
      %dma_start3A_135 = tpu.memref_slice %arg9[%dma_start3A_134] : memref<8192xf32, #tpu.memory_space<vmem>> -> memref<4096xf32, #tpu.memory_space<vmem>>
      tpu.enqueue_dma source(%dma_start3A_135 : memref<4096xf32, #tpu.memory_space<vmem>>) target(%dma_start3A_133 : memref<4096xf32, #tpu.memory_space<hbm>>) target_semaphore(%arg13 : memref<!tpu.dma_semaphore, #tpu.memory_space<semaphore_mem>>)
      scf.yield %select_n3A : i32
    }
    %scan3A_13 = arith.constant 26 : i32
    %dma_wait3A = arith.constant 0 : i32
    %dma_wait3A_14 = arith.constant 0 : i32
    %dma_wait3A_15 = arith.constant 0 : i32
    %dma_wait3A_16 = tpu.memref_slice %arg4[%dma_wait3A, %dma_wait3A_14, %dma_wait3A_15] : memref<26x64x100000xf32, #tpu.memory_space<hbm>> -> memref<1x1x8192xf32, #tpu.memory_space<hbm>>
    %dma_wait3A_17 = tpu.memref_squeeze %dma_wait3A_16 : memref<1x1x8192xf32, #tpu.memory_space<hbm>> -> memref<8192xf32, #tpu.memory_space<hbm>>
    %dma_wait3A_18 = arith.constant 0 : i32
    %dma_wait3A_19 = tpu.memref_slice %arg4[%dma_wait3A, %dma_wait3A_14, %dma_wait3A_18] : memref<26x64x100000xf32, #tpu.memory_space<hbm>> -> memref<1x1x8192xf32, #tpu.memory_space<hbm>>
    %dma_wait3A_20 = tpu.memref_squeeze %dma_wait3A_19 : memref<1x1x8192xf32, #tpu.memory_space<hbm>> -> memref<8192xf32, #tpu.memory_space<hbm>>
    tpu.wait_dma2 semaphore(%arg13 : memref<!tpu.dma_semaphore, #tpu.memory_space<semaphore_mem>>) src(%dma_wait3A_20 : memref<8192xf32, #tpu.memory_space<hbm>>) dst(%arg9 : memref<8192xf32, #tpu.memory_space<vmem>>)
    return
  }
}

</mosaic_0001>

<sc_bundles>
// kernel: kernel.3.cloned.1.call-start
scs
__scs_entry_jumppad:
0x0: {  	(pc) =	sbr.rel $0x88, $3  }
0x1: {  	(tag) =	ssettag $0x0;
	lr =	simm.s32 $0x1  }
0x2: {  	[smem:$0x3F9D] =	sst lr;
	_ =	strace $0xD0000000  }
0x3: {  	_ = 	snop  }
0x4: {  	_ = 	snop  }
0x5: {  	_ = 	snop  }
0x6: {  	_ = 	snop  }
0x7: {  	_ = 	snop  }
__scs_overlays_trampoline_lowered:
0x8: {  	[smem:$0x3FAC] =	sst s0  }
0x9: {  	[smem:$0x3FAD] =	sst s1  }
0xa: {  	[smem:$0x3FAE] =	sst s2  }
0xb: {  	[smem:$0x3FAF] =	sst s3  }
0xc: {  	[smem:$0x3FB0] =	sst s4  }
0xd: {  	[smem:$0x3FB1] =	sst s5  }
0xe: {  	[smem:$0x3FB2] =	sst s6  }
0xf: {  	[smem:$0x3FB3] =	sst s7  }
0x10: {  	[smem:$0x3FB4] =	sst s8  }
0x11: {  	[smem:$0x3FB5] =	sst s9;
	s0 =	simm.s32 @!p0 $0x0  }
0x12: {  	s1 =	sld [smem:$0x3F9B];
	s0 =	simm.s32 @p0 $0x1  }
0x13: {  	[smem:$0x3FB6] =	sst s0;
	s0 =	simm.s32 @!p1 $0x0  }
0x14: {  	s2 =	sld [smem:$0x3F9A];
	s0 =	simm.s32 @p1 $0x1  }
0x15: {  	[smem:$0x3FB7] =	sst s0;
	s0 =	simm.s32 @!p2 $0x0  }
0x16: {  	s3 =	sld [smem:$0x3FDB];
	s0 =	simm.s32 @p2 $0x1  }
0x17: {  	s4 =	simm.s32 $0x1BF5;
	[smem:$0x3FB9] =	sst s0  }
0x18: {  	s0 =	sld [smem:$0x3F9C];
	_ =	swait.ge [sflag:s4], $0x0  }
0x19: {  	s7 =	sld [smem:$0x3F9D]  }
0x1a: {  	s8 =	sadd.s32 $0xFFFFE003, lr  }
0x1b: {  	s9 =	sadd.s32 $0xFFFFFEF7, lr;
	s5 =	simm.s32 $0xFFFFFFFF;
	p2 =	slt.u32 s8, $0xFFFFF086  }
0x1c: {  	p1 =	slt.u32 s9, $0xF7A;
	s5 =	simm.s32 @!p2 $0x0  }
0x1d: {  	s5 =	simm.s32 @p1 $0x1;
	p0 =	seq.s32 s7, s2  }
0x1e: {  	s7 =	smul.u32 @!p0 $0xF7A, s2;
	p2 =	seq.s32 @!p0 s5, $0x0  }
0x1f: {  	s9 =	smul.u32 $0xF7A, s1;
	s8 =	simm.s32 @!p0 $0x1BF5;
	p2 =	por !p2, p0  }
0x20: {  	[sflag:s8] =	ssyncset.s32 @!p0 $0xFFFFF086;
	s6 =	sadd.s32 @!p0 s3, s7;
	s7 =	simm.s32 @!p0 $0x108  }
0x21: {  	s3 =	sadd.s32 s3, s9;
	s6 =	sadd.s32 @!p0 $0x88, s6;
	s7 =	simm.s32 @p2 $0x1082  }
0x22: {  	[simem:s7], [sflag:s8] =	dma.local @!p0 [hbm:s6], $0xF7A  }
0x23: {  	s9 =	sor.u32 $0xD0000000, s2;
	s6 =	simm.s32 $0x108;
	_ =	swait.ge @!p0 [sflag:s8], $0x0  }
0x24: {  	s3 =	sadd.s32 $0x88, s3;
	s6 =	simm.s32 @!p1 $0x1082;
	[sflag:s4] =	ssyncset.s32 $0xFFFFF086  }
0x25: {  	[simem:s6], [sflag:s4] =	dma.local [hbm:s3], $0xF7A  }
0x26: {  	[smem:$0x3F9D] =	sst s1;
	(tag) =	ssettag s2;
	_ =	strace s9  }
0x27: {  	s1 =	sld [smem:$0x3FAD]  }
0x28: {  	s2 =	sld [smem:$0x3FAE]  }
0x29: {  	s4 =	sld [smem:$0x3FB0]  }
0x2a: {  	p0 =	seq.s32 s5, $0x0;
	s5 =	sld [smem:$0x3FB1]  }
0x2b: {  	s6 =	sld [smem:$0x3FB2]  }
0x2c: {  	s7 =	sld [smem:$0x3FB3]  }
0x2d: {  	s3 =	simm.s32 $0x108;
	s8 =	sld [smem:$0x3FB4]  }
0x2e: {  	s3 =	simm.s32 @!p0 $0x1082;
	s9 =	sld [smem:$0x3FB5]  }
0x2f: {  	lr =	sadd.s32 s0, s3;
	s0 =	sld [smem:$0x3FAC]  }
0x30: {  	s3 =	sld [smem:$0x3FAF]  }
0x31: {  	[smem:$0x3FB8] =	sst s10  }
0x32: {  	s10 =	sld [smem:$0x3FB6];
	_ =	sdelay $0x3  }
0x33: {  	p0 =	seq.s32 s10, $0x1;
	s10 =	sld [smem:$0x3FB8];
	_ =	sdelay $0x3  }
0x34: {  	[smem:$0x3FB8] =	sst s10  }
0x35: {  	s10 =	sld [smem:$0x3FB7];
	_ =	sdelay $0x3  }
0x36: {  	p1 =	seq.s32 s10, $0x1;
	s10 =	sld [smem:$0x3FB8];
	_ =	sdelay $0x3  }
0x37: {  	[smem:$0x3FB8] =	sst s10  }
0x38: {  	s10 =	sld [smem:$0x3FB9]  }
0x39: {  	_ = 	snop;
	(pc) =	sbr.ind lr, $3  }
0x3a: {  	_ = 	snop  }
0x3b: {  	_ = 	snop  }
0x3c: {  	p2 =	seq.s32 s10, $0x1;
	s10 =	sld [smem:$0x3FB8]  }
0x3d: {  	_ =	shalt  }
0x3e: {  	_ =	shalt  }
0x3f: {  	_ =	shalt  }
0x40: {  	_ =	shalt  }
0x41: {  	_ =	shalt  }
0x42: {  	_ =	shalt  }
0x43: {  	_ =	shalt  }
0x44: {  	_ =	shalt  }
0x45: {  	_ =	shalt  }
0x46: {  	_ =	shalt  }
0x47: {  	_ =	shalt  }
0x48: {  	_ =	shalt  }
0x49: {  	_ =	shalt  }
0x4a: {  	_ =	shalt  }
0x4b: {  	_ =	shalt  }
0x4c: {  	_ =	shalt  }
0x4d: {  	_ =	shalt  }
0x4e: {  	_ =	shalt  }
0x4f: {  	_ =	shalt  }
0x50: {  	_ =	shalt  }
0x51: {  	_ =	shalt  }
0x52: {  	_ =	shalt  }
0x53: {  	_ =	shalt  }
0x54: {  	_ =	shalt  }
0x55: {  	_ =	shalt  }
0x56: {  	_ =	shalt  }
0x57: {  	_ =	shalt  }
0x58: {  	_ =	shalt  }
0x59: {  	_ =	shalt  }
0x5a: {  	_ =	shalt  }
0x5b: {  	_ =	shalt  }
0x5c: {  	_ =	shalt  }
0x5d: {  	_ =	shalt  }
0x5e: {  	_ =	shalt  }
0x5f: {  	_ =	shalt  }
0x60: {  	_ =	shalt  }
0x61: {  	_ =	shalt  }
0x62: {  	_ =	shalt  }
0x63: {  	_ =	shalt  }
0x64: {  	_ =	shalt  }
0x65: {  	_ =	shalt  }
0x66: {  	_ =	shalt  }
0x67: {  	_ =	shalt  }
0x68: {  	_ =	shalt  }
0x69: {  	_ =	shalt  }
0x6a: {  	_ =	shalt  }
0x6b: {  	_ =	shalt  }
0x6c: {  	_ =	shalt  }
0x6d: {  	_ =	shalt  }
0x6e: {  	_ =	shalt  }
0x6f: {  	_ =	shalt  }
0x70: {  	_ =	shalt  }
0x71: {  	_ =	shalt  }
0x72: {  	_ =	shalt  }
0x73: {  	_ =	shalt  }
0x74: {  	_ =	shalt  }
0x75: {  	_ =	shalt  }
0x76: {  	_ =	shalt  }
0x77: {  	_ =	shalt  }
0x78: {  	_ =	shalt  }
0x79: {  	_ =	shalt  }
0x7a: {  	_ =	shalt  }
0x7b: {  	_ =	shalt  }
0x7c: {  	_ =	shalt  }
0x7d: {  	_ =	shalt  }
0x7e: {  	_ =	shalt  }
0x7f: {  	_ =	shalt  }
0x80: {  	_ =	shalt  }
0x81: {  	_ =	shalt  }
0x82: {  	_ =	shalt  }
0x83: {  	_ =	shalt  }
0x84: {  	_ =	shalt  }
0x85: {  	_ =	shalt  }
0x86: {  	_ =	shalt  }
0x87: {  	_ =	shalt  }
.Lfunc_end0:
.L_simem_size_0:
called_computation_lowered:
.L_overlay_start_0:
0x88: {  	s2 =	sld [smem:$0x3FD9]  }
0x89: {  	s3 =	sld [smem:$0x3FFE];
	_ =	sdelay $0x1  }
0x8a: {  	s1 =	srdreg.scid  }
0x8b: {  	s0 =	sand.u32 $0x1, s1  }
0x8c: {  	s17 =	sshll.u32 s0, $0xA;
	s2 =	sadd.s32 s3, s2  }
0x8d: {  	s2 =	sadd.s32 s2, s17  }
0x8e: {  	[smem:$0x3FC4] =	sst s2  }
0x8f: {  	_ = 	snop  }
0x90: {  	s2 =	sld [smem:$0x3FC8]  }
0x91: {  	s18 =	sld [smem:$0x3FC7]  }
0x92: {  	s4 =	sld [smem:$0x3FC6]  }
0x93: {  	s5 =	sld [smem:$0x3FD0];
	(tm) =	ssettm $0x1  }
0x94: {  	s6 =	sld [smem:$0x3FFB];
	_ =	sdelay $0x3  }
0x95: {  	_ =	strace s6  }
0x96: {  	s6 =	sld [smem:$0x3FFC];
	_ =	sdelay $0x3  }
0x97: {  	_ =	strace s6  }
0x98: {  	s6 =	sld [smem:$0x3FFD];
	_ =	sdelay $0x3  }
0x99: {  	_ =	strace s6  }
0x9a: {  	_ =	strace $0x8FFFFFFF  }
0x9b: {  	s19 =	sld [smem:$0x3FDB];
	_ =	sdelay $0x1  }
0x9c: {  	s7 =	simm.s32 $_scs_section_size  }
0x9d: {  	s8 =	simm.s32 $_size__tile_overlayer_lowered;
	s9 =	simm.s32 $_tile_overlayer_lowered  }
0x9e: {  	s22 =	simm.s32 $0x1BFF;
	s21 =	sshll.u32 s9, $0x1;
	s6 =	sadd.s32 s7, s19  }
0x9f: {  	s10 =	simm.s32 $0x0;
	s20 =	sshll.u32 s8, $0x1;
	s8 =	sadd.s32 s21, s6  }
0xa0: {  	[timem:s10], [sflag:s22] =	dma.local [hbm:s8], s20  }
0xa1: {  	_ =	swait.ge [sflag:s22], s20  }
0xa2: {  	s7 =	ssub.s32 $0x0, s20;
	[sflag:s22] =	ssyncset.done $0x0  }
0xa3: {  	[sflag:s22] =	ssyncadd.s32 s7;
	_ =	sdelay $0x1  }
0xa4: {  	s23 =	simm.s32 $0x1B8B  }
0xa5: {  	_ =	swait.ge [sflag:s23], $0x1  }
0xa6: {  	[sflag:s23] =	ssyncset.done $0x0  }
0xa7: {  	s25 =	simm.s32 $0x1B8E;
	s24 =	sld [smem:$0x3FFE];
	[sflag:s23] =	ssyncadd.s32 $0xFFFFFFFF  }
0xa8: {  	s26 =	simm.s32 $execute0_lowered;
	[smem:$0x3FD2] =	sst s25  }
0xa9: {  	s8 =	sshll.u32 s26, $0x1;
	_ =	strace $0x80000046;
	[dreg:$0x1] =	wrdreg $0xFFFFFFFF  }
0xaa: {  	s28 =	simm.s32 $_size_execute0_lowered;
	s6 =	sadd.s32 s6, s8;
	[dreg:$0x0] =	wrdreg $0x0  }
0xab: {  	s8 =	sshll.u32 s28, $0x1;
	[dreg:$0x2] =	wrdreg s6  }
0xac: {  	[dreg:$0x3] =	wrdreg s8  }
0xad: {  	[dreg:$0x4] =	wrdreg $0xC0  }
0xae: {  	_ =	task [dreg:s10], $0x5FFFF  }
0xaf: {  	[dreg:$0x1] =	wrdreg $0xFFFFFFFF  }
0xb0: {  	[dreg:$0x0] =	wrdreg $0x60  }
0xb1: {  	[dreg:$0x2] =	wrdreg s2  }
0xb2: {  	[dreg:$0x3] =	wrdreg s24  }
0xb3: {  	[dreg:$0x4] =	wrdreg s18  }
0xb4: {  	[dreg:$0x5] =	wrdreg s4  }
0xb5: {  	[dreg:$0x6] =	wrdreg s5  }
0xb6: {  	[dreg:$0x7] =	wrdreg $0x9  }
0xb7: {  	_ =	task.clear_ibuf [dreg:s10], $0x8FFFF;
	_ =	strace $0x90000046  }
0xb8: {  	s29 =	simm.s32 $0x9;
	_ =	strace $0x80000048  }
0xb9: {  	_ =	swait.ge [sflag:s29], $0x1  }
0xba: {  	[sflag:s29] =	ssyncadd.s32 $0xFFFFFFFF  }
0xbb: {  	_ =	strace $0x90000048  }
0xbc: {  	_ =	sfence  }
0xbd: {  	s30 =	sld [smem:$0x0];
	_ =	sdelay $0x2  }
0xbe: {  	s31 =	sshll.u32 s1, $0xD;
	s1 =	sshrl.u32 s1, $0x2  }
0xbf: {  	s3 =	sand.u32 $0x4000, s31;
	s1 =	sadd.s32 s1, s30  }
0xc0: {  	s0 =	sor.u32 s3, s0;
	s1 =	sshll.u32 s1, $0x11  }
0xc1: {  	s0 =	sor.u32 s1, s0  }
0xc2: {  	s0 =	sadd.s32 $0x8F2B, s0  }
0xc3: {  	[sflag:s0] =	ssyncadd.remote.s32 $0x1  }
0xc4: {  	_ =	sfence.sel $0xFFFF  }
0xc5: {  	[dreg:$0x0] =	wrdreg $0xFFFFFFFF;
	(pc) =	sbr.abs _section_cstart, $3  }
0xc6: {  	[dreg:$0x1] =	wrdreg $0xFFFFFFFF  }
0xc7: {  	_ =	task.clear_ibuf [dreg:s10], $0x2FFFF;
	_ =	strace $0x9FFFFFFF  }
0xc8: {  	(tm) =	ssettm $0x7FFFFFFF  }
0xc9: {  	_ =	shalt  }
tec
execute0_lowered:
.L_overlay_start_1:
0x0: {  	(tag) =	ssettag $0x1  }
0x1: {  	s1 =	rddreg [dreg:$0x0]  }
0x2: {  	s7 =	rddreg [dreg:$0x1]  }
0x3: {  	s2 =	rddreg [dreg:$0x2]  }
0x4: {  	s3 =	rddreg [dreg:$0x3]  }
0x5: {  	s4 =	rddreg [dreg:$0x4]  }
0x6: {  	s0 =	rddreg [dreg:$0x5];
	s6 =	simm.s32 $0x0;
	s8 =	srdreg.scid  }
0x7: {  	s5 =	stileid.u32;
	s14 =	simm.s32 $0x80;
	s15 =	simm.s32 $0x400  }
0x8: {  	s16 =	simm.s32 $0x1;
	s17 =	simm.s32 $0x1C700;
	s18 =	simm.s32 $0x1D700  }
0x9: {  	s19 =	simm.s32 $0x2;
	s20 =	simm.s32 $0x1E700;
	s21 =	simm.s32 $0x0  }
0xa: {  	[smem:$0x7FF] =	sst s6;
	s8 =	sand.u32 $0x1, s8;
	s10 =	sshll.u32 s5, $0x1  }
0xb: {  	s7 =	sadd.s32 $0x400, s7;
	s9 =	ssub.s32 $0x2, s8;
	s12 =	sor.u32 s8, s10  }
0xc: {  	_ =	strace $0x80000047;
	s11 =	sshrl.u32 s9, $0x1;
	s8 =	smul.u32 $0x34, s12  }
0xd: {  	s10 =	sadd.s32 $0x2000, s4;
	s12 =	smul.u32 $0x1A, s12;
	s13 =	ssub.s32 s9, s11  }
0xe: {  	s9 =	sadd.s32 $0x1000, s4;
	s11 =	sadd.s32 $0x3000, s4;
	s13 =	smax.u32 s13, $0x1  }
.LBB2_1:
0xf: {  	s23 =	simm.s32 $0xFFFFFFFF;
	s22 =	simm.s32 $0x0  }
.LBB2_2:
0x10: {  	s25 =	sadd.s32 s8, s22  }
0x11: {  	s26 =	smov.u32 s23;
	s23 =	sshrl.u32 s25, $0x6;
	s24 =	sshrl.u32 s25, $0x3  }
0x12: {  	s24 =	sand.u32 $0x7, s24;
	s28 =	smul.u32 $0x61C000, s23  }
0x13: {  	s29 =	smul.u32 $0xC3800, s24  }
0x14: {  	s25 =	sshll.u32 s25, $0x7  }
0x15: {  	s25 =	sand.u32 $0x380, s25;
	s28 =	sadd.s32 s28, s29  }
0x16: {  	s28 =	sor.u32 s25, s28  }
0x17: {  	p1 =	seq.s32 s22, $0x0;
	s28 =	sshrl.u32 s28, $0x3  }
0x18: {  	p0 =	seq.s32 s23, s26;
	s26 =	simm.s32 @!p1 $0x2;
	s28 =	sadd.s32 s2, s28  }
0x19: {  	[tilespmem:s6], [sflag:$0x1] =	stream.strided.gather [hbm4b:s28+s14], $0x18700, s15, s14, $0x38;
	[tilespmem:$0x1E780] =	vst v63  }
0x1a: {  	s30 =	simm.s32 @!p0 $0x18700;
	s28 =	sshll.u32 @!p0 s23, $0x4;
	_ =	swait.ge @!p1 [sflag:s26], $0x2000  }
0x1b: {  	s29 =	sshll.u32 @!p0 s23, $0xB;
	s28 =	sand.u32 @!p0 $0x70, s28;
	[sflag:s26] =	ssyncset.done @!p1 $0x0  }
0x1c: {  	s29 =	sand.u32 @!p0 $0xFFFC000, s29;
	s28 =	sadd.s32 @!p0 s1, s28;
	[sflag:s26] =	ssyncadd.s32 @!p1 $0xFFFFE000  }
0x1d: {  	s26 =	sadd.s32 @!p0 s29, s28;
	s28 =	simm.s32 @!p0 $0x80;
	s29 =	simm.s32 @!p0 $0x400  }
0x1e: {  	[tilespmem:s30], [sflag:$0x3] =	stream.strided.gather @!p0 [hbm4b:s26+s28], $0x4000, s29, s28, $0x38;
	[tilespmem:$0x1E780] =	vst v63  }
0x1f: {  	s26 =	simm.s32 @!p0 $0x3  }
0x20: {  	_ =	swait.ge @!p0 [sflag:s26], $0x4000  }
0x21: {  	[sflag:s26] =	ssyncset.done @!p0 $0x0  }
0x22: {  	[sflag:s26] =	ssyncadd.s32 @!p0 $0xFFFFC000  }
0x23: {  	_ =	swait.ge [sflag:s16], $0x18700  }
0x24: {  	[sflag:s16] =	ssyncset.done $0x0  }
0x25: {  	s31 =	simm.s32 $0x18740;
	[sflag:s16] =	ssyncadd.s32 $0xFFFE7900  }
0x26: {  	v0 =	vld [tilespmem:s31+$0x30]  }
0x27: {  	v1 =	vld [tilespmem:s31+$0xFFFFFFD0]  }
0x28: {  	v2 =	vld [tilespmem:s31+$0xFFFFFFE0]  }
0x29: {  	v3 =	vld [tilespmem:s31+$0xFFFFFFF0]  }
0x2a: {  	v6 =	vld [tilespmem:s31+$0x0]  }
0x2b: {  	v7 =	vld [tilespmem:s31+$0x10]  }
0x2c: {  	v8 =	vld [tilespmem:s31+$0x20]  }
0x2d: {  	v9 =	vld [tilespmem:s31+$0xFFFFFFC0]  }
0x2e: {  	v10 =	vld.idx.msk [tilespmem:v0+s6+$0x0], $0xffff  }
0x2f: {  	v11 =	vld.idx.msk [tilespmem:v1+s6+$0x0], $0xffff  }
0x30: {  	v5 =	vld.idx.msk [tilespmem:v2+s6+$0x0], $0xffff  }
0x31: {  	v4 =	vld.idx.msk [tilespmem:v3+s6+$0x0], $0xffff  }
0x32: {  	v3 =	vld.idx.msk [tilespmem:v6+s6+$0x0], $0xffff  }
0x33: {  	s26 =	simm.s32 $0x1C740;
	v1 =	vld.idx.msk [tilespmem:v7+s6+$0x0], $0xffff  }
0x34: {  	v0 =	vld.idx.msk [tilespmem:v8+s6+$0x0], $0xffff;
	[tilespmem:s26+$0x30] =	vst v10  }
0x35: {  	s28 =	simm.s32 $0x0;
	s29 =	simm.s32 $0x187C0;
	v2 =	vld.idx.msk [tilespmem:v9+s6+$0x0], $0xffff;
	[tilespmem:s26+$0xFFFFFFD0] =	vst v11  }
.LBB2_3:
0x36: {  	v6 =	vld [tilespmem:s29+$0x30];
	s28 =	sadd.s32 $0x80, s28;
	[tilespmem:s26+$0xFFFFFFE0] =	vst v5  }
0x37: {  	v5 =	vld [tilespmem:s29+$0xFFFFFFD0];
	p0 =	slt.u32 s28, $0xF80;
	[tilespmem:s26+$0xFFFFFFF0] =	vst v4  }
0x38: {  	v4 =	vld [tilespmem:s29+$0xFFFFFFE0];
	[tilespmem:s26+$0x0] =	vst v3  }
0x39: {  	v3 =	vld [tilespmem:s29+$0xFFFFFFF0];
	[tilespmem:s26+$0x10] =	vst v1  }
0x3a: {  	v1 =	vld [tilespmem:s29+$0x0];
	[tilespmem:s26+$0x20] =	vst v0  }
0x3b: {  	v0 =	vld [tilespmem:s29+$0x10];
	[tilespmem:s26+$0xFFFFFFC0] =	vst v2  }
0x3c: {  	v2 =	vld [tilespmem:s29+$0x20]  }
0x3d: {  	v7 =	vld [tilespmem:s29+$0xFFFFFFC0]  }
0x3e: {  	v6 =	vld.idx.msk [tilespmem:v6+s6+$0x0], $0xffff  }
0x3f: {  	v8 =	vld.idx.msk [tilespmem:v5+s6+$0x0], $0xffff  }
0x40: {  	v5 =	vld.idx.msk [tilespmem:v4+s6+$0x0], $0xffff  }
.Ltmp0:
0x41: {  	v4 =	vld.idx.msk [tilespmem:v3+s6+$0x0], $0xffff;
	(pc) =	sbr.rel @p0 .LBB2_3-.Ltmp0, $4  }
0x42: {  	v3 =	vld.idx.msk [tilespmem:v1+s6+$0x0], $0xffff  }
0x43: {  	s26 =	sadd.s32 $0x80, s26;
	v1 =	vld.idx.msk [tilespmem:v0+s6+$0x0], $0xffff  }
0x44: {  	v0 =	vld.idx.msk [tilespmem:v2+s6+$0x0], $0xffff;
	[tilespmem:s26+$0x30] =	vst v6  }
0x45: {  	s29 =	sadd.s32 $0x80, s29;
	v2 =	vld.idx.msk [tilespmem:v7+s6+$0x0], $0xffff;
	[tilespmem:s26+$0xFFFFFFD0] =	vst v8  }
0x46: {  	[tilespmem:s26+$0xFFFFFFE0] =	vst v5;
	s28 =	sshll.u32 s23, $0x14;
	s24 =	sshll.u32 s24, $0x11  }
0x47: {  	[tilespmem:s26+$0xFFFFFFF0] =	vst v4;
	s24 =	sor.u32 s24, s28  }
0x48: {  	[tilespmem:s26+$0x0] =	vst v3;
	s24 =	sor.u32 s25, s24  }
0x49: {  	[tilespmem:s26+$0x10] =	vst v1;
	s24 =	sadd.s32 $0xD00000, s24  }
0x4a: {  	[tilespmem:s26+$0x20] =	vst v0;
	s24 =	sshrl.u32 s24, $0x3  }
0x4b: {  	s31 =	simm.s32 $0x19770;
	[tilespmem:s26+$0xFFFFFFC0] =	vst v2;
	s30 =	sadd.s32 s4, s24  }
0x4c: {  	[hbm4b:s30+s14] =	stream.strided.scatter [tilespmem:s17], [sflag:$0x2], $0x1000, s15, s14, $0x38;
	[tilespmem:$0x1E780] =	vst v63  }
0x4d: {  	v0 =	vld [tilespmem:s31+$0x0]  }
0x4e: {  	v1 =	vld [tilespmem:s31+$0xFFFFFFA0]  }
0x4f: {  	v2 =	vld [tilespmem:s31+$0xFFFFFFB0]  }
0x50: {  	v3 =	vld [tilespmem:s31+$0xFFFFFFC0]  }
0x51: {  	v4 =	vld [tilespmem:s31+$0xFFFFFFD0]  }
0x52: {  	v6 =	vld [tilespmem:s31+$0xFFFFFFE0]  }
0x53: {  	v7 =	vld [tilespmem:s31+$0xFFFFFFF0]  }
0x54: {  	v8 =	vld [tilespmem:s31+$0xFFFFFF90]  }
0x55: {  	v9 =	vld.idx.msk [tilespmem:v0+s6+$0x0], $0xffff  }
0x56: {  	v10 =	vld.idx.msk [tilespmem:v1+s6+$0x0], $0xffff  }
0x57: {  	v5 =	vld.idx.msk [tilespmem:v2+s6+$0x0], $0xffff  }
0x58: {  	v3 =	vld.idx.msk [tilespmem:v3+s6+$0x0], $0xffff  }
0x59: {  	v0 =	vld.idx.msk [tilespmem:v4+s6+$0x0], $0xffff  }
0x5a: {  	s25 =	simm.s32 $0x1D770;
	v1 =	vld.idx.msk [tilespmem:v6+s6+$0x0], $0xffff  }
0x5b: {  	v2 =	vld.idx.msk [tilespmem:v7+s6+$0x0], $0xffff;
	[tilespmem:s25+$0x0] =	vst v9  }
0x5c: {  	s28 =	simm.s32 $0x197F0;
	s26 =	simm.s32 $0x0;
	v4 =	vld.idx.msk [tilespmem:v8+s6+$0x0], $0xffff;
	[tilespmem:s25+$0xFFFFFFA0] =	vst v10  }
.LBB2_5:
0x5d: {  	v6 =	vld [tilespmem:s28+$0x0];
	s26 =	sadd.s32 $0x80, s26;
	[tilespmem:s25+$0xFFFFFFB0] =	vst v5  }
0x5e: {  	v5 =	vld [tilespmem:s28+$0xFFFFFFA0];
	p0 =	slt.u32 s26, $0xF80;
	[tilespmem:s25+$0xFFFFFFC0] =	vst v3  }
0x5f: {  	v3 =	vld [tilespmem:s28+$0xFFFFFFB0];
	[tilespmem:s25+$0xFFFFFFD0] =	vst v0  }
0x60: {  	v0 =	vld [tilespmem:s28+$0xFFFFFFC0];
	[tilespmem:s25+$0xFFFFFFE0] =	vst v1  }
0x61: {  	v1 =	vld [tilespmem:s28+$0xFFFFFFD0];
	[tilespmem:s25+$0xFFFFFFF0] =	vst v2  }
0x62: {  	v2 =	vld [tilespmem:s28+$0xFFFFFFE0];
	[tilespmem:s25+$0xFFFFFF90] =	vst v4  }
0x63: {  	v4 =	vld [tilespmem:s28+$0xFFFFFFF0]  }
0x64: {  	v7 =	vld [tilespmem:s28+$0xFFFFFF90]  }
0x65: {  	v6 =	vld.idx.msk [tilespmem:v6+s6+$0x0], $0xffff  }
0x66: {  	v8 =	vld.idx.msk [tilespmem:v5+s6+$0x0], $0xffff  }
0x67: {  	v5 =	vld.idx.msk [tilespmem:v3+s6+$0x0], $0xffff  }
.Ltmp1:
0x68: {  	v3 =	vld.idx.msk [tilespmem:v0+s6+$0x0], $0xffff;
	(pc) =	sbr.rel @p0 .LBB2_5-.Ltmp1, $4  }
0x69: {  	v0 =	vld.idx.msk [tilespmem:v1+s6+$0x0], $0xffff  }
0x6a: {  	s25 =	sadd.s32 $0x80, s25;
	v1 =	vld.idx.msk [tilespmem:v2+s6+$0x0], $0xffff  }
0x6b: {  	v2 =	vld.idx.msk [tilespmem:v4+s6+$0x0], $0xffff;
	[tilespmem:s25+$0x0] =	vst v6  }
0x6c: {  	s28 =	sadd.s32 $0x80, s28;
	v4 =	vld.idx.msk [tilespmem:v7+s6+$0x0], $0xffff;
	[tilespmem:s25+$0xFFFFFFA0] =	vst v8  }
0x6d: {  	[tilespmem:s25+$0xFFFFFFB0] =	vst v5  }
0x6e: {  	[tilespmem:s25+$0xFFFFFFC0] =	vst v3  }
0x6f: {  	[tilespmem:s25+$0xFFFFFFD0] =	vst v0  }
0x70: {  	[tilespmem:s25+$0xFFFFFFE0] =	vst v1  }
0x71: {  	[tilespmem:s25+$0xFFFFFFF0] =	vst v2  }
0x72: {  	s30 =	sadd.s32 s24, s9;
	[tilespmem:s25+$0xFFFFFF90] =	vst v4  }
0x73: {  	[hbm4b:s30+s14] =	stream.strided.scatter [tilespmem:s18], [sflag:$0x2], $0x1000, s15, s14, $0x38;
	[tilespmem:$0x1E780] =	vst v63  }
0x74: {  	_ =	swait.ge [sflag:s19], $0x1000  }
0x75: {  	[sflag:s19] =	ssyncset.done $0x0  }
0x76: {  	s31 =	simm.s32 $0x1A770;
	[sflag:s19] =	ssyncadd.s32 $0xFFFFF000  }
0x77: {  	v0 =	vld [tilespmem:s31+$0x0]  }
0x78: {  	v1 =	vld [tilespmem:s31+$0xFFFFFFA0]  }
0x79: {  	v2 =	vld [tilespmem:s31+$0xFFFFFFB0]  }
0x7a: {  	v3 =	vld [tilespmem:s31+$0xFFFFFFC0]  }
0x7b: {  	v4 =	vld [tilespmem:s31+$0xFFFFFFD0]  }
0x7c: {  	v6 =	vld [tilespmem:s31+$0xFFFFFFE0]  }
0x7d: {  	v7 =	vld [tilespmem:s31+$0xFFFFFFF0]  }
0x7e: {  	v8 =	vld [tilespmem:s31+$0xFFFFFF90]  }
0x7f: {  	v9 =	vld.idx.msk [tilespmem:v0+s6+$0x0], $0xffff  }
0x80: {  	v10 =	vld.idx.msk [tilespmem:v1+s6+$0x0], $0xffff  }
0x81: {  	v5 =	vld.idx.msk [tilespmem:v2+s6+$0x0], $0xffff  }
0x82: {  	v3 =	vld.idx.msk [tilespmem:v3+s6+$0x0], $0xffff  }
0x83: {  	v0 =	vld.idx.msk [tilespmem:v4+s6+$0x0], $0xffff  }
0x84: {  	s25 =	simm.s32 $0x1C740;
	v1 =	vld.idx.msk [tilespmem:v6+s6+$0x0], $0xffff  }
0x85: {  	v2 =	vld.idx.msk [tilespmem:v7+s6+$0x0], $0xffff;
	[tilespmem:s25+$0x30] =	vst v9  }
0x86: {  	s26 =	simm.s32 $0x0;
	s28 =	simm.s32 $0x1A7F0;
	v4 =	vld.idx.msk [tilespmem:v8+s6+$0x0], $0xffff;
	[tilespmem:s25+$0xFFFFFFD0] =	vst v10  }
.LBB2_7:
0x87: {  	v6 =	vld [tilespmem:s28+$0x0];
	s26 =	sadd.s32 $0x80, s26;
	[tilespmem:s25+$0xFFFFFFE0] =	vst v5  }
0x88: {  	v5 =	vld [tilespmem:s28+$0xFFFFFFA0];
	p0 =	slt.u32 s26, $0xF80;
	[tilespmem:s25+$0xFFFFFFF0] =	vst v3  }
0x89: {  	v3 =	vld [tilespmem:s28+$0xFFFFFFB0];
	[tilespmem:s25+$0x0] =	vst v0  }
0x8a: {  	v0 =	vld [tilespmem:s28+$0xFFFFFFC0];
	[tilespmem:s25+$0x10] =	vst v1  }
0x8b: {  	v1 =	vld [tilespmem:s28+$0xFFFFFFD0];
	[tilespmem:s25+$0x20] =	vst v2  }
0x8c: {  	v2 =	vld [tilespmem:s28+$0xFFFFFFE0];
	[tilespmem:s25+$0xFFFFFFC0] =	vst v4  }
0x8d: {  	v4 =	vld [tilespmem:s28+$0xFFFFFFF0]  }
0x8e: {  	v7 =	vld [tilespmem:s28+$0xFFFFFF90]  }
0x8f: {  	v6 =	vld.idx.msk [tilespmem:v6+s6+$0x0], $0xffff  }
0x90: {  	v8 =	vld.idx.msk [tilespmem:v5+s6+$0x0], $0xffff  }
0x91: {  	v5 =	vld.idx.msk [tilespmem:v3+s6+$0x0], $0xffff  }
.Ltmp2:
0x92: {  	v3 =	vld.idx.msk [tilespmem:v0+s6+$0x0], $0xffff;
	(pc) =	sbr.rel @p0 .LBB2_7-.Ltmp2, $4  }
0x93: {  	v0 =	vld.idx.msk [tilespmem:v1+s6+$0x0], $0xffff  }
0x94: {  	s25 =	sadd.s32 $0x80, s25;
	v1 =	vld.idx.msk [tilespmem:v2+s6+$0x0], $0xffff  }
0x95: {  	v2 =	vld.idx.msk [tilespmem:v4+s6+$0x0], $0xffff;
	[tilespmem:s25+$0x30] =	vst v6  }
0x96: {  	s28 =	sadd.s32 $0x80, s28;
	v4 =	vld.idx.msk [tilespmem:v7+s6+$0x0], $0xffff;
	[tilespmem:s25+$0xFFFFFFD0] =	vst v8  }
0x97: {  	[tilespmem:s25+$0xFFFFFFE0] =	vst v5  }
0x98: {  	[tilespmem:s25+$0xFFFFFFF0] =	vst v3  }
0x99: {  	[tilespmem:s25+$0x0] =	vst v0  }
0x9a: {  	[tilespmem:s25+$0x10] =	vst v1  }
0x9b: {  	[tilespmem:s25+$0x20] =	vst v2  }
0x9c: {  	s30 =	sadd.s32 s24, s10;
	[tilespmem:s25+$0xFFFFFFC0] =	vst v4  }
0x9d: {  	[hbm4b:s30+s14] =	stream.strided.scatter [tilespmem:s17], [sflag:$0x2], $0x1000, s15, s14, $0x38;
	[tilespmem:$0x1E780] =	vst v63  }
0x9e: {  	_ =	swait.ge [sflag:s19], $0x1000  }
0x9f: {  	[sflag:s19] =	ssyncset.done $0x0  }
0xa0: {  	s31 =	simm.s32 $0x1B770;
	[sflag:s19] =	ssyncadd.s32 $0xFFFFF000  }
0xa1: {  	v0 =	vld [tilespmem:s31+$0x0]  }
0xa2: {  	v1 =	vld [tilespmem:s31+$0xFFFFFFA0]  }
0xa3: {  	v2 =	vld [tilespmem:s31+$0xFFFFFFB0]  }
0xa4: {  	v3 =	vld [tilespmem:s31+$0xFFFFFFC0]  }
0xa5: {  	v4 =	vld [tilespmem:s31+$0xFFFFFFD0]  }
0xa6: {  	v6 =	vld [tilespmem:s31+$0xFFFFFFE0]  }
0xa7: {  	v7 =	vld [tilespmem:s31+$0xFFFFFFF0]  }
0xa8: {  	v8 =	vld [tilespmem:s31+$0xFFFFFF90]  }
0xa9: {  	v9 =	vld.idx.msk [tilespmem:v0+s6+$0x0], $0xffff  }
0xaa: {  	v10 =	vld.idx.msk [tilespmem:v1+s6+$0x0], $0xffff  }
0xab: {  	v5 =	vld.idx.msk [tilespmem:v2+s6+$0x0], $0xffff  }
0xac: {  	v3 =	vld.idx.msk [tilespmem:v3+s6+$0x0], $0xffff  }
0xad: {  	v0 =	vld.idx.msk [tilespmem:v4+s6+$0x0], $0xffff  }
0xae: {  	s25 =	simm.s32 $0x1D770;
	v1 =	vld.idx.msk [tilespmem:v6+s6+$0x0], $0xffff  }
0xaf: {  	v2 =	vld.idx.msk [tilespmem:v7+s6+$0x0], $0xffff;
	[tilespmem:s25+$0x0] =	vst v9  }
0xb0: {  	s26 =	simm.s32 $0x0;
	s28 =	simm.s32 $0x1B7F0;
	v4 =	vld.idx.msk [tilespmem:v8+s6+$0x0], $0xffff;
	[tilespmem:s25+$0xFFFFFFA0] =	vst v10  }
.LBB2_9:
0xb1: {  	v6 =	vld [tilespmem:s28+$0x0];
	s26 =	sadd.s32 $0x80, s26;
	[tilespmem:s25+$0xFFFFFFB0] =	vst v5  }
0xb2: {  	v5 =	vld [tilespmem:s28+$0xFFFFFFA0];
	p0 =	slt.u32 s26, $0xF80;
	[tilespmem:s25+$0xFFFFFFC0] =	vst v3  }
0xb3: {  	v3 =	vld [tilespmem:s28+$0xFFFFFFB0];
	[tilespmem:s25+$0xFFFFFFD0] =	vst v0  }
0xb4: {  	v0 =	vld [tilespmem:s28+$0xFFFFFFC0];
	[tilespmem:s25+$0xFFFFFFE0] =	vst v1  }
0xb5: {  	v1 =	vld [tilespmem:s28+$0xFFFFFFD0];
	[tilespmem:s25+$0xFFFFFFF0] =	vst v2  }
0xb6: {  	v2 =	vld [tilespmem:s28+$0xFFFFFFE0];
	[tilespmem:s25+$0xFFFFFF90] =	vst v4  }
0xb7: {  	v4 =	vld [tilespmem:s28+$0xFFFFFFF0]  }
0xb8: {  	v7 =	vld [tilespmem:s28+$0xFFFFFF90]  }
0xb9: {  	v6 =	vld.idx.msk [tilespmem:v6+s6+$0x0], $0xffff  }
0xba: {  	v8 =	vld.idx.msk [tilespmem:v5+s6+$0x0], $0xffff  }
0xbb: {  	v5 =	vld.idx.msk [tilespmem:v3+s6+$0x0], $0xffff  }
.Ltmp3:
0xbc: {  	v3 =	vld.idx.msk [tilespmem:v0+s6+$0x0], $0xffff;
	(pc) =	sbr.rel @p0 .LBB2_9-.Ltmp3, $4  }
0xbd: {  	v0 =	vld.idx.msk [tilespmem:v1+s6+$0x0], $0xffff  }
0xbe: {  	s25 =	sadd.s32 $0x80, s25;
	v1 =	vld.idx.msk [tilespmem:v2+s6+$0x0], $0xffff  }
0xbf: {  	v2 =	vld.idx.msk [tilespmem:v4+s6+$0x0], $0xffff;
	[tilespmem:s25+$0x0] =	vst v6  }
0xc0: {  	s28 =	sadd.s32 $0x80, s28;
	v4 =	vld.idx.msk [tilespmem:v7+s6+$0x0], $0xffff;
	[tilespmem:s25+$0xFFFFFFA0] =	vst v8  }
0xc1: {  	[tilespmem:s25+$0xFFFFFFB0] =	vst v5;
	s22 =	sadd.s32 $0x1, s22  }
0xc2: {  	[tilespmem:s25+$0xFFFFFFC0] =	vst v3;
	p0 =	sne.s32 s22, $0x34  }
.Ltmp4:
0xc3: {  	[tilespmem:s25+$0xFFFFFFD0] =	vst v0;
	(pc) =	sbr.rel @p0 .LBB2_2-.Ltmp4, $4  }
0xc4: {  	[tilespmem:s25+$0xFFFFFFE0] =	vst v1  }
0xc5: {  	[tilespmem:s25+$0xFFFFFFF0] =	vst v2  }
0xc6: {  	s24 =	sadd.s32 s24, s11;
	[tilespmem:s25+$0xFFFFFF90] =	vst v4  }
0xc7: {  	[hbm4b:s24+s14] =	stream.strided.scatter [tilespmem:s18], [sflag:$0x2], $0x1000, s15, s14, $0x38;
	[tilespmem:$0x1E780] =	vst v63  }
0xc8: {  	s22 =	simm.s32 $0x0;
	s23 =	simm.s32 $0xFFFFFFFF  }
.LBB2_12:
0xc9: {  	s25 =	sadd.s32 s12, s22  }
0xca: {  	s24 =	smov.u32 s23;
	s23 =	sshrl.u32 s25, $0x6  }
0xcb: {  	p0 =	seq.s32 s23, s24  }
0xcc: {  	s24 =	sshrl.u32 @!p0 s25, $0x9;
	s26 =	sshll.u32 @!p0 s23, $0x7  }
0xcd: {  	_ =	swait.ge [sflag:s19], $0x2000;
	s28 =	sshll.u32 @!p0 s24, $0x11;
	s26 =	sand.u32 @!p0 $0x380, s26  }
0xce: {  	[sflag:s19] =	ssyncset.done $0x0;
	s28 =	sor.u32 @!p0 s28, s26  }
0xcf: {  	[sflag:s19] =	ssyncadd.s32 $0xFFFFE000;
	s29 =	simm.s32 @!p0 $0x80;
	s28 =	sshrl.u32 @!p0 s28, $0x3  }
0xd0: {  	s30 =	simm.s32 @!p0 $0x400;
	s31 =	simm.s32 @!p0 $0x18700;
	s28 =	sadd.s32 @!p0 s7, s28  }
0xd1: {  	[tilespmem:s31], [sflag:$0x3] =	stream.strided.gather @!p0 [hbm4b:s28+s29], $0x4000, s30, s29, $0x38;
	[tilespmem:$0x1E780] =	vst v63  }
0xd2: {  	s24 =	sshll.u32 @!p0 s24, $0xA;
	s28 =	simm.s32 @!p0 $0x3  }
0xd3: {  	s26 =	sor.u32 @!p0 s24, s26;
	s24 =	sand.u32 $0x3F, s25;
	_ =	swait.ge @!p0 [sflag:s28], $0x4000  }
0xd4: {  	s25 =	sshrl.u32 @!p0 s26, $0x3;
	s26 =	simm.s32 @!p0 $0x0;
	[sflag:s28] =	ssyncset.done @!p0 $0x0  }
0xd5: {  	v0 =	vmov s24;
	s25 =	sadd.s32 @!p0 s3, s25;
	s29 =	simm.s32 @!p0 $0x1E700;
	[sflag:s28] =	ssyncadd.s32 @!p0 $0xFFFFC000  }
0xd6: {  	[tilespmem:s29], [sflag:$0x3] =	stream.linear.gather @!p0 [hbm4b:s25+s26], $0x80, $0x38;
	[tilespmem:$0x1E780] =	vst v63  }
0xd7: {  	_ =	swait.ge @!p0 [sflag:s28], $0x80  }
0xd8: {  	[sflag:s28] =	ssyncset.done @!p0 $0x0  }
0xd9: {  	[sflag:s28] =	ssyncadd.s32 @!p0 $0xFFFFFF80  }
0xda: {  	s28 =	simm.s32 $0x18740;
	v0 =	vld.idx.msk [tilespmem:v0+s20+$0x0], $0xffff  }
0xdb: {  	v3 =	vld [tilespmem:s28+$0x30]  }
0xdc: {  	v4 =	vld [tilespmem:s28+$0xFFFFFFD0]  }
0xdd: {  	v7 =	vld [tilespmem:s28+$0xFFFFFFE0]  }
0xde: {  	v5 =	vld [tilespmem:s28+$0xFFFFFFF0]  }
0xdf: {  	v2 =	vld [tilespmem:s28+$0x0]  }
0xe0: {  	v1 =	vld [tilespmem:s28+$0x10];
	v8 =	vmul.f32 v3, v0  }
0xe1: {  	s25 =	simm.s32 $0x1C740;
	v3 =	vld [tilespmem:s28+$0x20];
	v6 =	vmul.f32 v4, v0  }
0xe2: {  	s26 =	simm.s32 $0x0;
	v4 =	vld [tilespmem:s28+$0xFFFFFFC0];
	v7 =	vmul.f32 v7, v0;
	s28 =	simm.s32 $0x187C0;
	[tilespmem:s25+$0x30] =	vst v8  }
.LBB2_13:
0xe3: {  	v8 =	vld [tilespmem:s28+$0x30];
	s26 =	sadd.s32 $0x80, s26;
	[tilespmem:s25+$0xFFFFFFD0] =	vst v6;
	v5 =	vmul.f32 v5, v0  }
0xe4: {  	v6 =	vld [tilespmem:s28+$0xFFFFFFD0];
	p0 =	slt.u32 s26, $0xF80;
	[tilespmem:s25+$0xFFFFFFE0] =	vst v7;
	v2 =	vmul.f32 v2, v0  }
0xe5: {  	v7 =	vld [tilespmem:s28+$0xFFFFFFE0];
	[tilespmem:s25+$0xFFFFFFF0] =	vst v5;
	v1 =	vmul.f32 v1, v0  }
.Ltmp5:
0xe6: {  	v5 =	vld [tilespmem:s28+$0xFFFFFFF0];
	[tilespmem:s25+$0x0] =	vst v2;
	v3 =	vmul.f32 v3, v0;
	(pc) =	sbr.rel @p0 .LBB2_13-.Ltmp5, $4  }
0xe7: {  	v2 =	vld [tilespmem:s28+$0x0];
	v4 =	vmul.f32 v4, v0;
	[tilespmem:s25+$0x10] =	vst v1  }
0xe8: {  	v1 =	vld [tilespmem:s28+$0x10];
	v8 =	vmul.f32 v8, v0;
	[tilespmem:s25+$0x20] =	vst v3  }
0xe9: {  	v6 =	vmul.f32 v6, v0;
	v3 =	vld [tilespmem:s28+$0x20];
	[tilespmem:s25+$0xFFFFFFC0] =	vst v4;
	s25 =	sadd.s32 $0x80, s25  }
0xea: {  	v4 =	vld [tilespmem:s28+$0xFFFFFFC0];
	v7 =	vmul.f32 v7, v0;
	[tilespmem:s25+$0x30] =	vst v8;
	s28 =	sadd.s32 $0x80, s28  }
0xeb: {  	[tilespmem:s25+$0xFFFFFFD0] =	vst v6;
	v5 =	vmul.f32 v5, v0  }
0xec: {  	[tilespmem:s25+$0xFFFFFFE0] =	vst v7;
	v2 =	vmul.f32 v2, v0  }
0xed: {  	s26 =	sshll.u32 s24, $0xB;
	[tilespmem:s25+$0xFFFFFFF0] =	vst v5;
	v1 =	vmul.f32 v1, v0  }
0xee: {  	s28 =	sshll.u32 s23, $0x11;
	s30 =	sshll.u32 s24, $0x4;
	s26 =	sand.u32 $0x1C000, s26;
	[tilespmem:s25+$0x0] =	vst v2;
	v2 =	vmul.f32 v3, v0  }
0xef: {  	s24 =	sand.u32 $0x70, s30;
	s26 =	sor.u32 s28, s26;
	v3 =	vmul.f32 v4, v0;
	[tilespmem:s25+$0x10] =	vst v1  }
0xf0: {  	s24 =	sor.u32 s24, s26;
	[tilespmem:s25+$0x20] =	vst v2  }
0xf1: {  	s28 =	simm.s32 $0x19770;
	s31 =	sadd.s32 s4, s24;
	[tilespmem:s25+$0xFFFFFFC0] =	vst v3  }
0xf2: {  	[hbm4b:s31+s14] =	stream.strided.scatter [tilespmem:s17], [sflag:$0x2], $0x1000, s15, s14, $0x38;
	[tilespmem:$0x1E780] =	vst v63  }
0xf3: {  	v3 =	vld [tilespmem:s28+$0x0]  }
0xf4: {  	v5 =	vld [tilespmem:s28+$0xFFFFFFA0]  }
0xf5: {  	v7 =	vld [tilespmem:s28+$0xFFFFFFB0]  }
0xf6: {  	v4 =	vld [tilespmem:s28+$0xFFFFFFC0]  }
0xf7: {  	v2 =	vld [tilespmem:s28+$0xFFFFFFD0]  }
0xf8: {  	v1 =	vld [tilespmem:s28+$0xFFFFFFE0];
	v8 =	vmul.f32 v3, v0  }
0xf9: {  	s25 =	simm.s32 $0x1D770;
	v3 =	vld [tilespmem:s28+$0xFFFFFFF0];
	v6 =	vmul.f32 v5, v0  }
0xfa: {  	s26 =	simm.s32 $0x0;
	v5 =	vld [tilespmem:s28+$0xFFFFFF90];
	v7 =	vmul.f32 v7, v0;
	s28 =	simm.s32 $0x197F0;
	[tilespmem:s25+$0x0] =	vst v8  }
.LBB2_15:
0xfb: {  	v8 =	vld [tilespmem:s28+$0x0];
	s26 =	sadd.s32 $0x80, s26;
	[tilespmem:s25+$0xFFFFFFA0] =	vst v6;
	v4 =	vmul.f32 v4, v0  }
0xfc: {  	v6 =	vld [tilespmem:s28+$0xFFFFFFA0];
	p0 =	slt.u32 s26, $0xF80;
	[tilespmem:s25+$0xFFFFFFB0] =	vst v7;
	v2 =	vmul.f32 v2, v0  }
0xfd: {  	v7 =	vld [tilespmem:s28+$0xFFFFFFB0];
	[tilespmem:s25+$0xFFFFFFC0] =	vst v4;
	v1 =	vmul.f32 v1, v0  }
.Ltmp6:
0xfe: {  	v4 =	vld [tilespmem:s28+$0xFFFFFFC0];
	[tilespmem:s25+$0xFFFFFFD0] =	vst v2;
	v3 =	vmul.f32 v3, v0;
	(pc) =	sbr.rel @p0 .LBB2_15-.Ltmp6, $4  }
0xff: {  	v2 =	vld [tilespmem:s28+$0xFFFFFFD0];
	v5 =	vmul.f32 v5, v0;
	[tilespmem:s25+$0xFFFFFFE0] =	vst v1  }
0x100: {  	v1 =	vld [tilespmem:s28+$0xFFFFFFE0];
	v8 =	vmul.f32 v8, v0;
	[tilespmem:s25+$0xFFFFFFF0] =	vst v3  }
0x101: {  	v6 =	vmul.f32 v6, v0;
	v3 =	vld [tilespmem:s28+$0xFFFFFFF0];
	[tilespmem:s25+$0xFFFFFF90] =	vst v5;
	s25 =	sadd.s32 $0x80, s25  }
0x102: {  	v5 =	vld [tilespmem:s28+$0xFFFFFF90];
	v7 =	vmul.f32 v7, v0;
	[tilespmem:s25+$0x0] =	vst v8;
	s28 =	sadd.s32 $0x80, s28  }
0x103: {  	[tilespmem:s25+$0xFFFFFFA0] =	vst v6;
	v4 =	vmul.f32 v4, v0  }
0x104: {  	[tilespmem:s25+$0xFFFFFFB0] =	vst v7;
	v2 =	vmul.f32 v2, v0  }
0x105: {  	[tilespmem:s25+$0xFFFFFFC0] =	vst v4;
	v1 =	vmul.f32 v1, v0  }
0x106: {  	[tilespmem:s25+$0xFFFFFFD0] =	vst v2;
	v2 =	vmul.f32 v3, v0  }
0x107: {  	v3 =	vmul.f32 v5, v0;
	[tilespmem:s25+$0xFFFFFFE0] =	vst v1  }
0x108: {  	[tilespmem:s25+$0xFFFFFFF0] =	vst v2  }
0x109: {  	s31 =	sadd.s32 s24, s9;
	[tilespmem:s25+$0xFFFFFF90] =	vst v3  }
0x10a: {  	[hbm4b:s31+s14] =	stream.strided.scatter [tilespmem:s18], [sflag:$0x2], $0x1000, s15, s14, $0x38;
	[tilespmem:$0x1E780] =	vst v63  }
0x10b: {  	_ =	swait.ge [sflag:s19], $0x1000  }
0x10c: {  	[sflag:s19] =	ssyncset.done $0x0  }
0x10d: {  	s28 =	simm.s32 $0x1A770;
	[sflag:s19] =	ssyncadd.s32 $0xFFFFF000  }
0x10e: {  	v3 =	vld [tilespmem:s28+$0x0]  }
0x10f: {  	v5 =	vld [tilespmem:s28+$0xFFFFFFA0]  }
0x110: {  	v7 =	vld [tilespmem:s28+$0xFFFFFFB0]  }
0x111: {  	v4 =	vld [tilespmem:s28+$0xFFFFFFC0]  }
0x112: {  	v2 =	vld [tilespmem:s28+$0xFFFFFFD0]  }
0x113: {  	v1 =	vld [tilespmem:s28+$0xFFFFFFE0];
	v8 =	vmul.f32 v3, v0  }
0x114: {  	s25 =	simm.s32 $0x1C740;
	v3 =	vld [tilespmem:s28+$0xFFFFFFF0];
	v6 =	vmul.f32 v5, v0  }
0x115: {  	s26 =	simm.s32 $0x0;
	v5 =	vld [tilespmem:s28+$0xFFFFFF90];
	v7 =	vmul.f32 v7, v0;
	s28 =	simm.s32 $0x1A7F0;
	[tilespmem:s25+$0x30] =	vst v8  }
.LBB2_17:
0x116: {  	v8 =	vld [tilespmem:s28+$0x0];
	s26 =	sadd.s32 $0x80, s26;
	[tilespmem:s25+$0xFFFFFFD0] =	vst v6;
	v4 =	vmul.f32 v4, v0  }
0x117: {  	v6 =	vld [tilespmem:s28+$0xFFFFFFA0];
	p0 =	slt.u32 s26, $0xF80;
	[tilespmem:s25+$0xFFFFFFE0] =	vst v7;
	v2 =	vmul.f32 v2, v0  }
0x118: {  	v7 =	vld [tilespmem:s28+$0xFFFFFFB0];
	[tilespmem:s25+$0xFFFFFFF0] =	vst v4;
	v1 =	vmul.f32 v1, v0  }
.Ltmp7:
0x119: {  	v4 =	vld [tilespmem:s28+$0xFFFFFFC0];
	[tilespmem:s25+$0x0] =	vst v2;
	v3 =	vmul.f32 v3, v0;
	(pc) =	sbr.rel @p0 .LBB2_17-.Ltmp7, $4  }
0x11a: {  	v2 =	vld [tilespmem:s28+$0xFFFFFFD0];
	v5 =	vmul.f32 v5, v0;
	[tilespmem:s25+$0x10] =	vst v1  }
0x11b: {  	v1 =	vld [tilespmem:s28+$0xFFFFFFE0];
	v8 =	vmul.f32 v8, v0;
	[tilespmem:s25+$0x20] =	vst v3  }
0x11c: {  	v6 =	vmul.f32 v6, v0;
	v3 =	vld [tilespmem:s28+$0xFFFFFFF0];
	[tilespmem:s25+$0xFFFFFFC0] =	vst v5;
	s25 =	sadd.s32 $0x80, s25  }
0x11d: {  	v5 =	vld [tilespmem:s28+$0xFFFFFF90];
	v7 =	vmul.f32 v7, v0;
	[tilespmem:s25+$0x30] =	vst v8;
	s28 =	sadd.s32 $0x80, s28  }
0x11e: {  	[tilespmem:s25+$0xFFFFFFD0] =	vst v6;
	v4 =	vmul.f32 v4, v0  }
0x11f: {  	[tilespmem:s25+$0xFFFFFFE0] =	vst v7;
	v2 =	vmul.f32 v2, v0  }
0x120: {  	[tilespmem:s25+$0xFFFFFFF0] =	vst v4;
	v1 =	vmul.f32 v1, v0  }
0x121: {  	[tilespmem:s25+$0x0] =	vst v2;
	v2 =	vmul.f32 v3, v0  }
0x122: {  	v3 =	vmul.f32 v5, v0;
	[tilespmem:s25+$0x10] =	vst v1  }
0x123: {  	[tilespmem:s25+$0x20] =	vst v2  }
0x124: {  	s31 =	sadd.s32 s24, s10;
	[tilespmem:s25+$0xFFFFFFC0] =	vst v3  }
0x125: {  	[hbm4b:s31+s14] =	stream.strided.scatter [tilespmem:s17], [sflag:$0x2], $0x1000, s15, s14, $0x38;
	[tilespmem:$0x1E780] =	vst v63  }
0x126: {  	_ =	swait.ge [sflag:s19], $0x1000  }
0x127: {  	[sflag:s19] =	ssyncset.done $0x0  }
0x128: {  	s28 =	simm.s32 $0x1B770;
	[sflag:s19] =	ssyncadd.s32 $0xFFFFF000  }
0x129: {  	v3 =	vld [tilespmem:s28+$0x0]  }
0x12a: {  	v5 =	vld [tilespmem:s28+$0xFFFFFFA0]  }
0x12b: {  	v7 =	vld [tilespmem:s28+$0xFFFFFFB0]  }
0x12c: {  	v4 =	vld [tilespmem:s28+$0xFFFFFFC0]  }
0x12d: {  	v2 =	vld [tilespmem:s28+$0xFFFFFFD0]  }
0x12e: {  	v1 =	vld [tilespmem:s28+$0xFFFFFFE0];
	v8 =	vmul.f32 v3, v0  }
0x12f: {  	s25 =	simm.s32 $0x1D770;
	v3 =	vld [tilespmem:s28+$0xFFFFFFF0];
	v6 =	vmul.f32 v5, v0  }
0x130: {  	s26 =	simm.s32 $0x0;
	v5 =	vld [tilespmem:s28+$0xFFFFFF90];
	v7 =	vmul.f32 v7, v0;
	s28 =	simm.s32 $0x1B7F0;
	[tilespmem:s25+$0x0] =	vst v8  }
.LBB2_19:
0x131: {  	v8 =	vld [tilespmem:s28+$0x0];
	s26 =	sadd.s32 $0x80, s26;
	[tilespmem:s25+$0xFFFFFFA0] =	vst v6;
	v4 =	vmul.f32 v4, v0  }
0x132: {  	v6 =	vld [tilespmem:s28+$0xFFFFFFA0];
	p0 =	slt.u32 s26, $0xF80;
	[tilespmem:s25+$0xFFFFFFB0] =	vst v7;
	v2 =	vmul.f32 v2, v0  }
0x133: {  	v7 =	vld [tilespmem:s28+$0xFFFFFFB0];
	[tilespmem:s25+$0xFFFFFFC0] =	vst v4;
	v1 =	vmul.f32 v1, v0  }
.Ltmp8:
0x134: {  	v4 =	vld [tilespmem:s28+$0xFFFFFFC0];
	[tilespmem:s25+$0xFFFFFFD0] =	vst v2;
	v3 =	vmul.f32 v3, v0;
	(pc) =	sbr.rel @p0 .LBB2_19-.Ltmp8, $4  }
0x135: {  	v2 =	vld [tilespmem:s28+$0xFFFFFFD0];
	v5 =	vmul.f32 v5, v0;
	[tilespmem:s25+$0xFFFFFFE0] =	vst v1  }
0x136: {  	v1 =	vld [tilespmem:s28+$0xFFFFFFE0];
	v8 =	vmul.f32 v8, v0;
	[tilespmem:s25+$0xFFFFFFF0] =	vst v3  }
0x137: {  	v6 =	vmul.f32 v6, v0;
	v3 =	vld [tilespmem:s28+$0xFFFFFFF0];
	[tilespmem:s25+$0xFFFFFF90] =	vst v5;
	s25 =	sadd.s32 $0x80, s25  }
0x138: {  	v5 =	vld [tilespmem:s28+$0xFFFFFF90];
	v7 =	vmul.f32 v7, v0;
	[tilespmem:s25+$0x0] =	vst v8;
	s28 =	sadd.s32 $0x80, s28  }
0x139: {  	[tilespmem:s25+$0xFFFFFFA0] =	vst v6;
	v4 =	vmul.f32 v4, v0  }
0x13a: {  	s22 =	sadd.s32 $0x1, s22;
	[tilespmem:s25+$0xFFFFFFB0] =	vst v7;
	v2 =	vmul.f32 v2, v0  }
0x13b: {  	p0 =	sne.s32 s22, $0x1A;
	[tilespmem:s25+$0xFFFFFFC0] =	vst v4;
	v1 =	vmul.f32 v1, v0  }
.Ltmp9:
0x13c: {  	[tilespmem:s25+$0xFFFFFFD0] =	vst v2;
	v62 =	vmul.f32 v3, v0;
	(pc) =	sbr.rel @p0 .LBB2_12-.Ltmp9, $4  }
0x13d: {  	v63 =	vmul.f32 v5, v0;
	[tilespmem:s25+$0xFFFFFFE0] =	vst v1  }
0x13e: {  	[tilespmem:s25+$0xFFFFFFF0] =	vst v62  }
0x13f: {  	s24 =	sadd.s32 s24, s11;
	[tilespmem:s25+$0xFFFFFF90] =	vst v63  }
0x140: {  	[hbm4b:s24+s14] =	stream.strided.scatter [tilespmem:s18], [sflag:$0x2], $0x1000, s15, s14, $0x38;
	[tilespmem:$0x1E780] =	vst v63  }
0x141: {  	s21 =	sadd.s32 $0x1, s21  }
0x142: {  	p0 =	sne.s32 s21, s13  }
.Ltmp10:
0x143: {  	_ = 	snop;
	(pc) =	sbr.rel @p0 .LBB2_1-.Ltmp10, $4  }
0x144: {  	_ = 	snop  }
0x145: {  	_ =	swait.ge [sflag:s19], $0x2000  }
0x146: {  	[sflag:s19] =	ssyncset.done $0x0  }
0x147: {  	[sflag:s19] =	ssyncadd.s32 $0xFFFFE000  }
0x148: {  	_ =	sfence.sel $0x180000  }
0x149: {  	[bflag:$0x0] =	sbarrier.arrive $0xFFFF  }
0x14a: {  	p0 =	sne.s32 s5, $0x0;
	_ =	strace $0x90000047  }
0x14b: {  	s0 =	sadd.s32 @!p0 $0x100000, s0;
	[bflag:$0x2] =	sbarrier.arrive $0xFFFF  }
0x14c: {  	[sflag:s0] =	ssyncadd.tile.s32 @!p0 $0x1;
	_ =	shalt  }
.Lfunc_end2:
_tile_overlayer_lowered:
.L_overlay_start_2:
0x14d: {  	(tag) =	ssettag $0x2  }
0x14e: {  	s0 =	rddreg [dreg:$0x0];
	s2 =	stileid.u32  }
0x14f: {  	s1 =	rddreg [dreg:$0x1];
	p0 =	sne.s32 s2, $0x0  }
0x150: {  	s3 =	rddreg [dreg:$0x2];
	[bflag:$0x3] =	sbarrier.arrive $0xFFFF;
	s2 =	simm.s32 @!p0 $0x1C03  }
0x151: {  	[timem:s3], [sflag:s2] =	dma.local @!p0 [hbm:s0], s1  }
0x152: {  	s0 =	simm.s32 @!p0 $0x3  }
0x153: {  	_ =	swait.ge @!p0 [sflag:s0], s1  }
0x154: {  	s1 =	ssub.s32 @!p0 $0x0, s1;
	[sflag:s0] =	ssyncset.done @!p0 $0x0  }
0x155: {  	[sflag:s0] =	ssyncadd.s32 @!p0 s1  }
0x156: {  	[bflag:$0x3] =	sbarrier.arrive $0xFFFF  }
0x157: {  	_ =	shalt  }

</sc_bundles>
